<compile_context>
chip_gen: v7x
topology: tpu7x:2x2x1
jax: 0.10.2.dev20260603
libtpu: 0.0.44.dev20260713+nightly
codegen_flags: <defaults>
</compile_context>

<pallas_src>
import functools

import jax
import jax.numpy as jnp
from jax import lax
from jax.experimental import pallas as pl
from jax.experimental.pallas import tpu as pltpu
from jax.experimental.pallas import tpu_sc as plsc

EMBED_DIM = 64
NUM_CORES = 2
NUM_SUBCORES = 16
NUM_WORKERS = NUM_CORES * NUM_SUBCORES
CHUNK = 128
NBUF = 4
ROW_W = 2 * EMBED_DIM


def _table_transpose(table_t):
  v = table_t.shape[1]
  blk = 16384

  def body(in_ref, out_ref):
    eye = jnp.eye(EMBED_DIM, dtype=jnp.float32)
    t = jax.lax.dot_general(
        in_ref[...], eye, dimension_numbers=(((0,), (0,)), ((), ())),
        preferred_element_type=jnp.float32)
    out_ref[:, 0:EMBED_DIM] = t
    out_ref[:, EMBED_DIM:2 * EMBED_DIM] = t

  return pl.pallas_call(
      body,
      grid=(pl.cdiv(v, blk),),
      in_specs=[pl.BlockSpec((EMBED_DIM, blk), lambda i: (0, i))],
      out_specs=pl.BlockSpec((blk, 2 * EMBED_DIM), lambda i: (i, 0)),
      out_shape=jax.ShapeDtypeStruct((v, 2 * EMBED_DIM), jnp.float32),
  )(table_t)


def _idx_flatten(idx_t):
  fields, batch = idx_t.shape

  def body(in_ref, out_ref):
    for f in range(fields):
      out_ref[pl.ds(f * batch, batch)] = in_ref[f]

  return pl.pallas_call(
      body,
      in_specs=[pl.BlockSpec((fields, batch), lambda: (0, 0))],
      out_specs=pl.BlockSpec((fields * batch,), lambda: (0,)),
      out_shape=jax.ShapeDtypeStruct((fields * batch,), jnp.int32),
  )(idx_t)


def _out_transpose(rows_fb2, fields, batch):
  blk = 4096
  assert batch % blk == 0
  per_f = batch // blk

  def body(in_ref, out_ref):
    eye = jnp.eye(EMBED_DIM, dtype=jnp.float32)
    x = in_ref[:, 0:EMBED_DIM]
    out_ref[0] = jax.lax.dot_general(
        eye, x, dimension_numbers=(((0,), (1,)), ((), ())),
        preferred_element_type=jnp.float32)

  return pl.pallas_call(
      body,
      grid=(fields, per_f),
      in_specs=[
          pl.BlockSpec((blk, 2 * EMBED_DIM), lambda f, i: (f * per_f + i, 0))
      ],
      out_specs=pl.BlockSpec((1, EMBED_DIM, blk), lambda f, i: (f, 0, i)),
      out_shape=jax.ShapeDtypeStruct((fields, EMBED_DIM, batch), jnp.float32),
  )(rows_fb2)


@functools.lru_cache(maxsize=None)
def _build_gather(batch_total: int):
  assert batch_total % (NUM_WORKERS * NBUF * CHUNK) == 0
  b_per_w = batch_total // NUM_WORKERS
  n_rounds = b_per_w // (NBUF * CHUNK)
  mesh = plsc.VectorSubcoreMesh(core_axis_name="c", subcore_axis_name="s")

  scratch = (
      [pltpu.VMEM((CHUNK,), jnp.int32) for _ in range(NBUF)]
      + [pltpu.VMEM((CHUNK, ROW_W), jnp.float32) for _ in range(NBUF)]
      + [pltpu.SemaphoreType.DMA for _ in range(3 * NBUF)]
  )

  @functools.partial(
      pl.kernel,
      mesh=mesh,
      out_type=jax.ShapeDtypeStruct((batch_total, ROW_W), jnp.float32),
      scratch_types=scratch,
      compiler_params=pltpu.CompilerParams(use_tc_tiling_on_sc=False),
  )
  def gather_kernel(table_hbm, idx_hbm, out_hbm, *scr):
    stage = scr[:NBUF]
    rows = scr[NBUF:2 * NBUF]
    isem = scr[2 * NBUF:3 * NBUF]
    gsem = scr[3 * NBUF:4 * NBUF]
    wsem = scr[4 * NBUF:5 * NBUF]
    wid = lax.axis_index("s") * NUM_CORES + lax.axis_index("c")
    base = wid * b_per_w

    def idx_copy(i, s):
      return pltpu.make_async_copy(idx_hbm.at[pl.ds(base + i * CHUNK, CHUNK)],
                                   stage[s], isem[s])

    def gather(i, s):
      del i
      return pltpu.make_async_copy(table_hbm.at[stage[s]], rows[s], gsem[s])

    def write(i, s):
      return pltpu.make_async_copy(
          rows[s].at[:, pl.ds(0, EMBED_DIM)],
          out_hbm.at[pl.ds(base + i * CHUNK, CHUNK), pl.ds(0, EMBED_DIM)],
          wsem[s])

    for s in range(NBUF):
      idx_copy(s, s).start()

    def body(r, _):
      i0 = r * NBUF
      for s in range(NBUF):
        idx_copy(i0 + s, s).wait()

        @pl.when(r > 0)
        def _():
          write(i0 + s - NBUF, s).wait()

        gather(i0 + s, s).start()
      for s in range(NBUF):
        gather(i0 + s, s).wait()
        write(i0 + s, s).start()

        @pl.when(r + 1 < n_rounds)
        def _():
          idx_copy(i0 + s + NBUF, s).start()

      return 0

    lax.fori_loop(0, n_rounds, body, 0)
    for s in range(NBUF):
      write((n_rounds - 1) * NBUF + s, s).wait()

  return gather_kernel


def kernel(inputs, embeddings):
  batch, fields = inputs.shape
  table_pad = _table_transpose(embeddings.T)
  idx_flat = _idx_flatten(inputs.T.astype(jnp.int32))
  rows_fb = _build_gather(fields * batch)(table_pad, idx_flat)
  out_t = _out_transpose(rows_fb, fields, batch)
  return jnp.transpose(out_t, (2, 0, 1))

# --- scband reference (transcript-rebuilt; emitter-appended) ---
"""Pipeline reference for scband-projection-layer-6107443495290 (READ-ONLY COPY).

The authoritative reference and input builder live on the scoring server;
editing this copy changes nothing except your own understanding.
"""

import jax, jax.numpy as jnp
import numpy as np

NUM_EMBEDDINGS = 1000000
EMBED_DIM = 64
BATCH = 16384
FIELDS = 26

def setup_inputs(seed: int = 0) -> dict:
    key = jax.random.key(seed)
    k_idx, k_emb = jax.random.split(key)
    inputs = jax.random.randint(k_idx, (BATCH, FIELDS), 0, NUM_EMBEDDINGS, dtype=jnp.int64 if jax.config.jax_enable_x64 else jnp.int32)
    # Keras 'uniform' initializer: uniform in [-0.05, 0.05]
    embeddings = jax.random.uniform(k_emb, (NUM_EMBEDDINGS, EMBED_DIM), minval=-0.05, maxval=0.05, dtype=jnp.float32)
    return {"inputs": inputs, "embeddings": embeddings}

def reference(inputs, embeddings):
    # tf.nn.embedding_lookup(embeddings, inputs) with inputs cast to int32
    idx = inputs.astype(jnp.int32)
    return jnp.take(embeddings, idx, axis=0)

if __name__ == "__main__":
    import jax
    _d = setup_inputs()
    print(jax.jit(kernel)(*tuple(_d.values())))

</pallas_src>

<mosaic_0001>
#map = affine_map<(d0, d1) -> (0, 0)>
#map1 = affine_map<(d0, d1) -> (0)>
module attributes {stable_mosaic.version = 14 : i64} {
  func.func @gather_kernel(%arg0: i32, %arg1: i32, %arg2: memref<1000000x128xf32, #tpu.memory_space<hbm>>, %arg3: memref<425984xi32, #tpu.memory_space<hbm>>, %arg4: memref<425984x128xf32, #tpu.memory_space<hbm>>, %arg5: memref<128xi32, #tpu.memory_space<vmem>>, %arg6: memref<128xi32, #tpu.memory_space<vmem>>, %arg7: memref<128xi32, #tpu.memory_space<vmem>>, %arg8: memref<128xi32, #tpu.memory_space<vmem>>, %arg9: memref<128x128xf32, #tpu.memory_space<vmem>>, %arg10: memref<128x128xf32, #tpu.memory_space<vmem>>, %arg11: memref<128x128xf32, #tpu.memory_space<vmem>>, %arg12: memref<128x128xf32, #tpu.memory_space<vmem>>, %arg13: memref<!tpu.dma_semaphore, #tpu.memory_space<semaphore_mem>>, %arg14: memref<!tpu.dma_semaphore, #tpu.memory_space<semaphore_mem>>, %arg15: memref<!tpu.dma_semaphore, #tpu.memory_space<semaphore_mem>>, %arg16: memref<!tpu.dma_semaphore, #tpu.memory_space<semaphore_mem>>, %arg17: memref<!tpu.dma_semaphore, #tpu.memory_space<semaphore_mem>>, %arg18: memref<!tpu.dma_semaphore, #tpu.memory_space<semaphore_mem>>, %arg19: memref<!tpu.dma_semaphore, #tpu.memory_space<semaphore_mem>>, %arg20: memref<!tpu.dma_semaphore, #tpu.memory_space<semaphore_mem>>, %arg21: memref<!tpu.dma_semaphore, #tpu.memory_space<semaphore_mem>>, %arg22: memref<!tpu.dma_semaphore, #tpu.memory_space<semaphore_mem>>, %arg23: memref<!tpu.dma_semaphore, #tpu.memory_space<semaphore_mem>>, %arg24: memref<!tpu.dma_semaphore, #tpu.memory_space<semaphore_mem>>) attributes {dimension_semantics = [#tpu.dimension_semantics<core_parallel>, #tpu.dimension_semantics<subcore_parallel>], iteration_bounds = array<i64: 2, 16>, scalar_prefetch = 0 : i64, scratch_operands = 20 : i64, tpu.core_type = #tpu.core_type<sc_vector_subcore>, window_params = [{transform_indices = #map}, {transform_indices = #map1}, {transform_indices = #map}]} {
    %mul3A = arith.constant 2 : i32
    %mul3A_0 = arith.muli %arg1, %mul3A : i32
    %add3A = arith.addi %mul3A_0, %arg0 : i32
    %mul3A_1 = arith.constant 13312 : i32
    %mul3A_2 = arith.muli %add3A, %mul3A_1 : i32
    %add3A_3 = arith.constant 0 : i32
    %add3A_4 = arith.addi %mul3A_2, %add3A_3 : i32
    %dma_start3A = tpu.memref_slice %arg3[%add3A_4] : memref<425984xi32, #tpu.memory_space<hbm>> -> memref<128xi32, #tpu.memory_space<hbm>>
    %dma_start3A_5 = tpu.memref_slice %arg3[%add3A_4] : memref<425984xi32, #tpu.memory_space<hbm>> -> memref<128xi32, #tpu.memory_space<hbm>>
    tpu.enqueue_dma source(%dma_start3A_5 : memref<128xi32, #tpu.memory_space<hbm>>) target(%arg5 : memref<128xi32, #tpu.memory_space<vmem>>) target_semaphore(%arg13 : memref<!tpu.dma_semaphore, #tpu.memory_space<semaphore_mem>>)
    %add3A_6 = arith.constant 128 : i32
    %add3A_7 = arith.addi %mul3A_2, %add3A_6 : i32
    %dma_start3A_8 = tpu.memref_slice %arg3[%add3A_7] : memref<425984xi32, #tpu.memory_space<hbm>> -> memref<128xi32, #tpu.memory_space<hbm>>
    %dma_start3A_9 = tpu.memref_slice %arg3[%add3A_7] : memref<425984xi32, #tpu.memory_space<hbm>> -> memref<128xi32, #tpu.memory_space<hbm>>
    tpu.enqueue_dma source(%dma_start3A_9 : memref<128xi32, #tpu.memory_space<hbm>>) target(%arg6 : memref<128xi32, #tpu.memory_space<vmem>>) target_semaphore(%arg14 : memref<!tpu.dma_semaphore, #tpu.memory_space<semaphore_mem>>)
    %add3A_10 = arith.constant 256 : i32
    %add3A_11 = arith.addi %mul3A_2, %add3A_10 : i32
    %dma_start3A_12 = tpu.memref_slice %arg3[%add3A_11] : memref<425984xi32, #tpu.memory_space<hbm>> -> memref<128xi32, #tpu.memory_space<hbm>>
    %dma_start3A_13 = tpu.memref_slice %arg3[%add3A_11] : memref<425984xi32, #tpu.memory_space<hbm>> -> memref<128xi32, #tpu.memory_space<hbm>>
    tpu.enqueue_dma source(%dma_start3A_13 : memref<128xi32, #tpu.memory_space<hbm>>) target(%arg7 : memref<128xi32, #tpu.memory_space<vmem>>) target_semaphore(%arg15 : memref<!tpu.dma_semaphore, #tpu.memory_space<semaphore_mem>>)
    %add3A_14 = arith.constant 384 : i32
    %add3A_15 = arith.addi %mul3A_2, %add3A_14 : i32
    %dma_start3A_16 = tpu.memref_slice %arg3[%add3A_15] : memref<425984xi32, #tpu.memory_space<hbm>> -> memref<128xi32, #tpu.memory_space<hbm>>
    %dma_start3A_17 = tpu.memref_slice %arg3[%add3A_15] : memref<425984xi32, #tpu.memory_space<hbm>> -> memref<128xi32, #tpu.memory_space<hbm>>
    tpu.enqueue_dma source(%dma_start3A_17 : memref<128xi32, #tpu.memory_space<hbm>>) target(%arg8 : memref<128xi32, #tpu.memory_space<vmem>>) target_semaphore(%arg16 : memref<!tpu.dma_semaphore, #tpu.memory_space<semaphore_mem>>)
    %scan3A = arith.constant 0 : i32
    %scan3A_18 = arith.constant 0 : i32
    %scan3A_19 = arith.constant 26 : i32
    %scan3A_20 = arith.addi %scan3A_18, %scan3A_19 : i32
    %scan3A_21 = arith.constant 1 : i32
    %scan3A_22 = scf.for %scan3A_71 = %scan3A_18 to %scan3A_20 step %scan3A_21 iter_args(%scan3A_72 = %scan3A) -> (i32)  : i32 {
      %mul3A_73 = arith.constant 4 : i32
      %mul3A_74 = arith.muli %scan3A_71, %mul3A_73 : i32
      %add3A_75 = arith.constant 0 : i32
      %add3A_76 = arith.addi %mul3A_74, %add3A_75 : i32
      %mul3A_77 = arith.constant 128 : i32
      %mul3A_78 = arith.muli %add3A_76, %mul3A_77 : i32
      %add3A_79 = arith.addi %mul3A_2, %mul3A_78 : i32
      %dma_wait3A_80 = tpu.memref_slice %arg3[%add3A_79] : memref<425984xi32, #tpu.memory_space<hbm>> -> memref<128xi32, #tpu.memory_space<hbm>>
      %dma_wait3A_81 = tpu.memref_slice %arg3[%add3A_79] : memref<425984xi32, #tpu.memory_space<hbm>> -> memref<128xi32, #tpu.memory_space<hbm>>
      tpu.wait_dma2 semaphore(%arg13 : memref<!tpu.dma_semaphore, #tpu.memory_space<semaphore_mem>>) src(%dma_wait3A_81 : memref<128xi32, #tpu.memory_space<hbm>>) dst(%arg5 : memref<128xi32, #tpu.memory_space<vmem>>)
      %gt3A = arith.constant 0 : i32
      %gt3A_82 = arith.cmpi sgt, %scan3A_71, %gt3A : i32
      %convert_element_type3A = arith.extui %gt3A_82 : i1 to i32
      %cond3A = arith.constant 0 : i32
      %cond3A_83 = arith.cmpi ne, %convert_element_type3A, %cond3A : i32
      scf.if %cond3A_83 {
        %add3A_248 = arith.constant 0 : i32
        %add3A_249 = arith.addi %mul3A_74, %add3A_248 : i32
        %sub3A = arith.constant 4 : i32
        %sub3A_250 = arith.subi %add3A_249, %sub3A : i32
        %mul3A_251 = arith.constant 128 : i32
        %mul3A_252 = arith.muli %sub3A_250, %mul3A_251 : i32
        %add3A_253 = arith.addi %mul3A_2, %mul3A_252 : i32
        %dma_wait3A_254 = arith.constant 0 : i32
        %dma_wait3A_255 = arith.constant 0 : i32
        %dma_wait3A_256 = tpu.memref_slice %arg9[%dma_wait3A_254, %dma_wait3A_255] : memref<128x128xf32, #tpu.memory_space<vmem>> -> memref<128x64xf32, #tpu.memory_space<vmem>>
        %dma_wait3A_257 = arith.constant 0 : i32
        %dma_wait3A_258 = tpu.memref_slice %arg4[%add3A_253, %dma_wait3A_257] : memref<425984x128xf32, #tpu.memory_space<hbm>> -> memref<128x64xf32, #tpu.memory_space<hbm>>
        %dma_wait3A_259 = arith.constant 0 : i32
        %dma_wait3A_260 = tpu.memref_slice %arg4[%add3A_253, %dma_wait3A_259] : memref<425984x128xf32, #tpu.memory_space<hbm>> -> memref<128x64xf32, #tpu.memory_space<hbm>>
        %dma_wait3A_261 = arith.constant 0 : i32
        %dma_wait3A_262 = arith.constant 0 : i32
        %dma_wait3A_263 = tpu.memref_slice %arg9[%dma_wait3A_261, %dma_wait3A_262] : memref<128x128xf32, #tpu.memory_space<vmem>> -> memref<128x64xf32, #tpu.memory_space<vmem>>
        tpu.wait_dma2 semaphore(%arg21 : memref<!tpu.dma_semaphore, #tpu.memory_space<semaphore_mem>>) src(%dma_wait3A_263 : memref<128x64xf32, #tpu.memory_space<vmem>>) dst(%dma_wait3A_260 : memref<128x64xf32, #tpu.memory_space<hbm>>)
      } else {
      }
      %add3A_84 = arith.constant 0 : i32
      %add3A_85 = arith.addi %mul3A_74, %add3A_84 : i32
      %dma_start3A_86 = arith.constant 0 : i32
      %dma_start3A_87 = arith.constant 0 : i32
      %dma_start3A_88 = tpu.memref_slice %arg2[%dma_start3A_86, %dma_start3A_87] : memref<1000000x128xf32, #tpu.memory_space<hbm>> -> memref<1000000x128xf32, #tpu.memory_space<hbm>>
      tpu.enqueue_indirect_dma source(%dma_start3A_88 : memref<1000000x128xf32, #tpu.memory_space<hbm>>) target(%arg9 : memref<128x128xf32, #tpu.memory_space<vmem>>) offsets(%arg5 : memref<128xi32, #tpu.memory_space<vmem>>) semaphore(%arg17 : memref<!tpu.dma_semaphore, #tpu.memory_space<semaphore_mem>>)
      %add3A_89 = arith.constant 1 : i32
      %add3A_90 = arith.addi %mul3A_74, %add3A_89 : i32
      %mul3A_91 = arith.constant 128 : i32
      %mul3A_92 = arith.muli %add3A_90, %mul3A_91 : i32
      %add3A_93 = arith.addi %mul3A_2, %mul3A_92 : i32
      %dma_wait3A_94 = tpu.memref_slice %arg3[%add3A_93] : memref<425984xi32, #tpu.memory_space<hbm>> -> memref<128xi32, #tpu.memory_space<hbm>>
      %dma_wait3A_95 = tpu.memref_slice %arg3[%add3A_93] : memref<425984xi32, #tpu.memory_space<hbm>> -> memref<128xi32, #tpu.memory_space<hbm>>
      tpu.wait_dma2 semaphore(%arg14 : memref<!tpu.dma_semaphore, #tpu.memory_space<semaphore_mem>>) src(%dma_wait3A_95 : memref<128xi32, #tpu.memory_space<hbm>>) dst(%arg6 : memref<128xi32, #tpu.memory_space<vmem>>)
      %gt3A_96 = arith.constant 0 : i32
      %gt3A_97 = arith.cmpi sgt, %scan3A_71, %gt3A_96 : i32
      %convert_element_type3A_98 = arith.extui %gt3A_97 : i1 to i32
      %cond3A_99 = arith.constant 0 : i32
      %cond3A_100 = arith.cmpi ne, %convert_element_type3A_98, %cond3A_99 : i32
      scf.if %cond3A_100 {
        %add3A_248 = arith.constant 1 : i32
        %add3A_249 = arith.addi %mul3A_74, %add3A_248 : i32
        %sub3A = arith.constant 4 : i32
        %sub3A_250 = arith.subi %add3A_249, %sub3A : i32
        %mul3A_251 = arith.constant 128 : i32
        %mul3A_252 = arith.muli %sub3A_250, %mul3A_251 : i32
        %add3A_253 = arith.addi %mul3A_2, %mul3A_252 : i32
        %dma_wait3A_254 = arith.constant 0 : i32
        %dma_wait3A_255 = arith.constant 0 : i32
        %dma_wait3A_256 = tpu.memref_slice %arg10[%dma_wait3A_254, %dma_wait3A_255] : memref<128x128xf32, #tpu.memory_space<vmem>> -> memref<128x64xf32, #tpu.memory_space<vmem>>
        %dma_wait3A_257 = arith.constant 0 : i32
        %dma_wait3A_258 = tpu.memref_slice %arg4[%add3A_253, %dma_wait3A_257] : memref<425984x128xf32, #tpu.memory_space<hbm>> -> memref<128x64xf32, #tpu.memory_space<hbm>>
        %dma_wait3A_259 = arith.constant 0 : i32
        %dma_wait3A_260 = tpu.memref_slice %arg4[%add3A_253, %dma_wait3A_259] : memref<425984x128xf32, #tpu.memory_space<hbm>> -> memref<128x64xf32, #tpu.memory_space<hbm>>
        %dma_wait3A_261 = arith.constant 0 : i32
        %dma_wait3A_262 = arith.constant 0 : i32
        %dma_wait3A_263 = tpu.memref_slice %arg10[%dma_wait3A_261, %dma_wait3A_262] : memref<128x128xf32, #tpu.memory_space<vmem>> -> memref<128x64xf32, #tpu.memory_space<vmem>>
        tpu.wait_dma2 semaphore(%arg22 : memref<!tpu.dma_semaphore, #tpu.memory_space<semaphore_mem>>) src(%dma_wait3A_263 : memref<128x64xf32, #tpu.memory_space<vmem>>) dst(%dma_wait3A_260 : memref<128x64xf32, #tpu.memory_space<hbm>>)
      } else {
      }
      %add3A_101 = arith.constant 1 : i32
      %add3A_102 = arith.addi %mul3A_74, %add3A_101 : i32
      %dma_start3A_103 = arith.constant 0 : i32
      %dma_start3A_104 = arith.constant 0 : i32
      %dma_start3A_105 = tpu.memref_slice %arg2[%dma_start3A_103, %dma_start3A_104] : memref<1000000x128xf32, #tpu.memory_space<hbm>> -> memref<1000000x128xf32, #tpu.memory_space<hbm>>
      tpu.enqueue_indirect_dma source(%dma_start3A_105 : memref<1000000x128xf32, #tpu.memory_space<hbm>>) target(%arg10 : memref<128x128xf32, #tpu.memory_space<vmem>>) offsets(%arg6 : memref<128xi32, #tpu.memory_space<vmem>>) semaphore(%arg18 : memref<!tpu.dma_semaphore, #tpu.memory_space<semaphore_mem>>)
      %add3A_106 = arith.constant 2 : i32
      %add3A_107 = arith.addi %mul3A_74, %add3A_106 : i32
      %mul3A_108 = arith.constant 128 : i32
      %mul3A_109 = arith.muli %add3A_107, %mul3A_108 : i32
      %add3A_110 = arith.addi %mul3A_2, %mul3A_109 : i32
      %dma_wait3A_111 = tpu.memref_slice %arg3[%add3A_110] : memref<425984xi32, #tpu.memory_space<hbm>> -> memref<128xi32, #tpu.memory_space<hbm>>
      %dma_wait3A_112 = tpu.memref_slice %arg3[%add3A_110] : memref<425984xi32, #tpu.memory_space<hbm>> -> memref<128xi32, #tpu.memory_space<hbm>>
      tpu.wait_dma2 semaphore(%arg15 : memref<!tpu.dma_semaphore, #tpu.memory_space<semaphore_mem>>) src(%dma_wait3A_112 : memref<128xi32, #tpu.memory_space<hbm>>) dst(%arg7 : memref<128xi32, #tpu.memory_space<vmem>>)
      %gt3A_113 = arith.constant 0 : i32
      %gt3A_114 = arith.cmpi sgt, %scan3A_71, %gt3A_113 : i32
      %convert_element_type3A_115 = arith.extui %gt3A_114 : i1 to i32
      %cond3A_116 = arith.constant 0 : i32
      %cond3A_117 = arith.cmpi ne, %convert_element_type3A_115, %cond3A_116 : i32
      scf.if %cond3A_117 {
        %add3A_248 = arith.constant 2 : i32
        %add3A_249 = arith.addi %mul3A_74, %add3A_248 : i32
        %sub3A = arith.constant 4 : i32
        %sub3A_250 = arith.subi %add3A_249, %sub3A : i32
        %mul3A_251 = arith.constant 128 : i32
        %mul3A_252 = arith.muli %sub3A_250, %mul3A_251 : i32
        %add3A_253 = arith.addi %mul3A_2, %mul3A_252 : i32
        %dma_wait3A_254 = arith.constant 0 : i32
        %dma_wait3A_255 = arith.constant 0 : i32
        %dma_wait3A_256 = tpu.memref_slice %arg11[%dma_wait3A_254, %dma_wait3A_255] : memref<128x128xf32, #tpu.memory_space<vmem>> -> memref<128x64xf32, #tpu.memory_space<vmem>>
        %dma_wait3A_257 = arith.constant 0 : i32
        %dma_wait3A_258 = tpu.memref_slice %arg4[%add3A_253, %dma_wait3A_257] : memref<425984x128xf32, #tpu.memory_space<hbm>> -> memref<128x64xf32, #tpu.memory_space<hbm>>
        %dma_wait3A_259 = arith.constant 0 : i32
        %dma_wait3A_260 = tpu.memref_slice %arg4[%add3A_253, %dma_wait3A_259] : memref<425984x128xf32, #tpu.memory_space<hbm>> -> memref<128x64xf32, #tpu.memory_space<hbm>>
        %dma_wait3A_261 = arith.constant 0 : i32
        %dma_wait3A_262 = arith.constant 0 : i32
        %dma_wait3A_263 = tpu.memref_slice %arg11[%dma_wait3A_261, %dma_wait3A_262] : memref<128x128xf32, #tpu.memory_space<vmem>> -> memref<128x64xf32, #tpu.memory_space<vmem>>
        tpu.wait_dma2 semaphore(%arg23 : memref<!tpu.dma_semaphore, #tpu.memory_space<semaphore_mem>>) src(%dma_wait3A_263 : memref<128x64xf32, #tpu.memory_space<vmem>>) dst(%dma_wait3A_260 : memref<128x64xf32, #tpu.memory_space<hbm>>)
      } else {
      }
      %add3A_118 = arith.constant 2 : i32
      %add3A_119 = arith.addi %mul3A_74, %add3A_118 : i32
      %dma_start3A_120 = arith.constant 0 : i32
      %dma_start3A_121 = arith.constant 0 : i32
      %dma_start3A_122 = tpu.memref_slice %arg2[%dma_start3A_120, %dma_start3A_121] : memref<1000000x128xf32, #tpu.memory_space<hbm>> -> memref<1000000x128xf32, #tpu.memory_space<hbm>>
      tpu.enqueue_indirect_dma source(%dma_start3A_122 : memref<1000000x128xf32, #tpu.memory_space<hbm>>) target(%arg11 : memref<128x128xf32, #tpu.memory_space<vmem>>) offsets(%arg7 : memref<128xi32, #tpu.memory_space<vmem>>) semaphore(%arg19 : memref<!tpu.dma_semaphore, #tpu.memory_space<semaphore_mem>>)
      %add3A_123 = arith.constant 3 : i32
      %add3A_124 = arith.addi %mul3A_74, %add3A_123 : i32
      %mul3A_125 = arith.constant 128 : i32
      %mul3A_126 = arith.muli %add3A_124, %mul3A_125 : i32
      %add3A_127 = arith.addi %mul3A_2, %mul3A_126 : i32
      %dma_wait3A_128 = tpu.memref_slice %arg3[%add3A_127] : memref<425984xi32, #tpu.memory_space<hbm>> -> memref<128xi32, #tpu.memory_space<hbm>>
      %dma_wait3A_129 = tpu.memref_slice %arg3[%add3A_127] : memref<425984xi32, #tpu.memory_space<hbm>> -> memref<128xi32, #tpu.memory_space<hbm>>
      tpu.wait_dma2 semaphore(%arg16 : memref<!tpu.dma_semaphore, #tpu.memory_space<semaphore_mem>>) src(%dma_wait3A_129 : memref<128xi32, #tpu.memory_space<hbm>>) dst(%arg8 : memref<128xi32, #tpu.memory_space<vmem>>)
      %gt3A_130 = arith.constant 0 : i32
      %gt3A_131 = arith.cmpi sgt, %scan3A_71, %gt3A_130 : i32
      %convert_element_type3A_132 = arith.extui %gt3A_131 : i1 to i32
      %cond3A_133 = arith.constant 0 : i32
      %cond3A_134 = arith.cmpi ne, %convert_element_type3A_132, %cond3A_133 : i32
      scf.if %cond3A_134 {
        %add3A_248 = arith.constant 3 : i32
        %add3A_249 = arith.addi %mul3A_74, %add3A_248 : i32
        %sub3A = arith.constant 4 : i32
        %sub3A_250 = arith.subi %add3A_249, %sub3A : i32
        %mul3A_251 = arith.constant 128 : i32
        %mul3A_252 = arith.muli %sub3A_250, %mul3A_251 : i32
        %add3A_253 = arith.addi %mul3A_2, %mul3A_252 : i32
        %dma_wait3A_254 = arith.constant 0 : i32
        %dma_wait3A_255 = arith.constant 0 : i32
        %dma_wait3A_256 = tpu.memref_slice %arg12[%dma_wait3A_254, %dma_wait3A_255] : memref<128x128xf32, #tpu.memory_space<vmem>> -> memref<128x64xf32, #tpu.memory_space<vmem>>
        %dma_wait3A_257 = arith.constant 0 : i32
        %dma_wait3A_258 = tpu.memref_slice %arg4[%add3A_253, %dma_wait3A_257] : memref<425984x128xf32, #tpu.memory_space<hbm>> -> memref<128x64xf32, #tpu.memory_space<hbm>>
        %dma_wait3A_259 = arith.constant 0 : i32
        %dma_wait3A_260 = tpu.memref_slice %arg4[%add3A_253, %dma_wait3A_259] : memref<425984x128xf32, #tpu.memory_space<hbm>> -> memref<128x64xf32, #tpu.memory_space<hbm>>
        %dma_wait3A_261 = arith.constant 0 : i32
        %dma_wait3A_262 = arith.constant 0 : i32
        %dma_wait3A_263 = tpu.memref_slice %arg12[%dma_wait3A_261, %dma_wait3A_262] : memref<128x128xf32, #tpu.memory_space<vmem>> -> memref<128x64xf32, #tpu.memory_space<vmem>>
        tpu.wait_dma2 semaphore(%arg24 : memref<!tpu.dma_semaphore, #tpu.memory_space<semaphore_mem>>) src(%dma_wait3A_263 : memref<128x64xf32, #tpu.memory_space<vmem>>) dst(%dma_wait3A_260 : memref<128x64xf32, #tpu.memory_space<hbm>>)
      } else {
      }
      %add3A_135 = arith.constant 3 : i32
      %add3A_136 = arith.addi %mul3A_74, %add3A_135 : i32
      %dma_start3A_137 = arith.constant 0 : i32
      %dma_start3A_138 = arith.constant 0 : i32
      %dma_start3A_139 = tpu.memref_slice %arg2[%dma_start3A_137, %dma_start3A_138] : memref<1000000x128xf32, #tpu.memory_space<hbm>> -> memref<1000000x128xf32, #tpu.memory_space<hbm>>
      tpu.enqueue_indirect_dma source(%dma_start3A_139 : memref<1000000x128xf32, #tpu.memory_space<hbm>>) target(%arg12 : memref<128x128xf32, #tpu.memory_space<vmem>>) offsets(%arg8 : memref<128xi32, #tpu.memory_space<vmem>>) semaphore(%arg20 : memref<!tpu.dma_semaphore, #tpu.memory_space<semaphore_mem>>)
      %add3A_140 = arith.constant 0 : i32
      %add3A_141 = arith.addi %mul3A_74, %add3A_140 : i32
      %dma_wait3A_142 = arith.constant 0 : i32
      %dma_wait3A_143 = arith.constant 0 : i32
      %dma_wait3A_144 = tpu.memref_slice %arg2[%dma_wait3A_142, %dma_wait3A_143] : memref<1000000x128xf32, #tpu.memory_space<hbm>> -> memref<1000000x128xf32, #tpu.memory_space<hbm>>
      tpu.wait_indirect_dma semaphore(%arg17 : memref<!tpu.dma_semaphore, #tpu.memory_space<semaphore_mem>>) src(%dma_wait3A_144 : memref<1000000x128xf32, #tpu.memory_space<hbm>>) dst(%arg9 : memref<128x128xf32, #tpu.memory_space<vmem>>)
      %add3A_145 = arith.constant 0 : i32
      %add3A_146 = arith.addi %mul3A_74, %add3A_145 : i32
      %mul3A_147 = arith.constant 128 : i32
      %mul3A_148 = arith.muli %add3A_146, %mul3A_147 : i32
      %add3A_149 = arith.addi %mul3A_2, %mul3A_148 : i32
      %dma_start3A_150 = arith.constant 0 : i32
      %dma_start3A_151 = arith.constant 0 : i32
      %dma_start3A_152 = tpu.memref_slice %arg9[%dma_start3A_150, %dma_start3A_151] : memref<128x128xf32, #tpu.memory_space<vmem>> -> memref<128x64xf32, #tpu.memory_space<vmem>>
      %dma_start3A_153 = arith.constant 0 : i32
      %dma_start3A_154 = tpu.memref_slice %arg4[%add3A_149, %dma_start3A_153] : memref<425984x128xf32, #tpu.memory_space<hbm>> -> memref<128x64xf32, #tpu.memory_space<hbm>>
      %dma_start3A_155 = arith.constant 0 : i32
      %dma_start3A_156 = tpu.memref_slice %arg4[%add3A_149, %dma_start3A_155] : memref<425984x128xf32, #tpu.memory_space<hbm>> -> memref<128x64xf32, #tpu.memory_space<hbm>>
      %dma_start3A_157 = arith.constant 0 : i32
      %dma_start3A_158 = arith.constant 0 : i32
      %dma_start3A_159 = tpu.memref_slice %arg9[%dma_start3A_157, %dma_start3A_158] : memref<128x128xf32, #tpu.memory_space<vmem>> -> memref<128x64xf32, #tpu.memory_space<vmem>>
      tpu.enqueue_dma source(%dma_start3A_159 : memref<128x64xf32, #tpu.memory_space<vmem>>) target(%dma_start3A_156 : memref<128x64xf32, #tpu.memory_space<hbm>>) target_semaphore(%arg21 : memref<!tpu.dma_semaphore, #tpu.memory_space<semaphore_mem>>)
      %add3A_160 = arith.constant 1 : i32
      %add3A_161 = arith.addi %scan3A_71, %add3A_160 : i32
      %lt3A = arith.constant 26 : i32
      %lt3A_162 = arith.cmpi slt, %add3A_161, %lt3A : i32
      %convert_element_type3A_163 = arith.extui %lt3A_162 : i1 to i32
      %cond3A_164 = arith.constant 0 : i32
      %cond3A_165 = arith.cmpi ne, %convert_element_type3A_163, %cond3A_164 : i32
      scf.if %cond3A_165 {
        %add3A_248 = arith.constant 0 : i32
        %add3A_249 = arith.addi %mul3A_74, %add3A_248 : i32
        %add3A_250 = arith.constant 4 : i32
        %add3A_251 = arith.addi %add3A_249, %add3A_250 : i32
        %mul3A_252 = arith.constant 128 : i32
        %mul3A_253 = arith.muli %add3A_251, %mul3A_252 : i32
        %add3A_254 = arith.addi %mul3A_2, %mul3A_253 : i32
        %dma_start3A_255 = tpu.memref_slice %arg3[%add3A_254] : memref<425984xi32, #tpu.memory_space<hbm>> -> memref<128xi32, #tpu.memory_space<hbm>>
        %dma_start3A_256 = tpu.memref_slice %arg3[%add3A_254] : memref<425984xi32, #tpu.memory_space<hbm>> -> memref<128xi32, #tpu.memory_space<hbm>>
        tpu.enqueue_dma source(%dma_start3A_256 : memref<128xi32, #tpu.memory_space<hbm>>) target(%arg5 : memref<128xi32, #tpu.memory_space<vmem>>) target_semaphore(%arg13 : memref<!tpu.dma_semaphore, #tpu.memory_space<semaphore_mem>>)
      } else {
      }
      %add3A_166 = arith.constant 1 : i32
      %add3A_167 = arith.addi %mul3A_74, %add3A_166 : i32
      %dma_wait3A_168 = arith.constant 0 : i32
      %dma_wait3A_169 = arith.constant 0 : i32
      %dma_wait3A_170 = tpu.memref_slice %arg2[%dma_wait3A_168, %dma_wait3A_169] : memref<1000000x128xf32, #tpu.memory_space<hbm>> -> memref<1000000x128xf32, #tpu.memory_space<hbm>>
      tpu.wait_indirect_dma semaphore(%arg18 : memref<!tpu.dma_semaphore, #tpu.memory_space<semaphore_mem>>) src(%dma_wait3A_170 : memref<1000000x128xf32, #tpu.memory_space<hbm>>) dst(%arg10 : memref<128x128xf32, #tpu.memory_space<vmem>>)
      %add3A_171 = arith.constant 1 : i32
      %add3A_172 = arith.addi %mul3A_74, %add3A_171 : i32
      %mul3A_173 = arith.constant 128 : i32
      %mul3A_174 = arith.muli %add3A_172, %mul3A_173 : i32
      %add3A_175 = arith.addi %mul3A_2, %mul3A_174 : i32
      %dma_start3A_176 = arith.constant 0 : i32
      %dma_start3A_177 = arith.constant 0 : i32
      %dma_start3A_178 = tpu.memref_slice %arg10[%dma_start3A_176, %dma_start3A_177] : memref<128x128xf32, #tpu.memory_space<vmem>> -> memref<128x64xf32, #tpu.memory_space<vmem>>
      %dma_start3A_179 = arith.constant 0 : i32
      %dma_start3A_180 = tpu.memref_slice %arg4[%add3A_175, %dma_start3A_179] : memref<425984x128xf32, #tpu.memory_space<hbm>> -> memref<128x64xf32, #tpu.memory_space<hbm>>
      %dma_start3A_181 = arith.constant 0 : i32
      %dma_start3A_182 = tpu.memref_slice %arg4[%add3A_175, %dma_start3A_181] : memref<425984x128xf32, #tpu.memory_space<hbm>> -> memref<128x64xf32, #tpu.memory_space<hbm>>
      %dma_start3A_183 = arith.constant 0 : i32
      %dma_start3A_184 = arith.constant 0 : i32
      %dma_start3A_185 = tpu.memref_slice %arg10[%dma_start3A_183, %dma_start3A_184] : memref<128x128xf32, #tpu.memory_space<vmem>> -> memref<128x64xf32, #tpu.memory_space<vmem>>
      tpu.enqueue_dma source(%dma_start3A_185 : memref<128x64xf32, #tpu.memory_space<vmem>>) target(%dma_start3A_182 : memref<128x64xf32, #tpu.memory_space<hbm>>) target_semaphore(%arg22 : memref<!tpu.dma_semaphore, #tpu.memory_space<semaphore_mem>>)
      %add3A_186 = arith.constant 1 : i32
      %add3A_187 = arith.addi %scan3A_71, %add3A_186 : i32
      %lt3A_188 = arith.constant 26 : i32
      %lt3A_189 = arith.cmpi slt, %add3A_187, %lt3A_188 : i32
      %convert_element_type3A_190 = arith.extui %lt3A_189 : i1 to i32
      %cond3A_191 = arith.constant 0 : i32
      %cond3A_192 = arith.cmpi ne, %convert_element_type3A_190, %cond3A_191 : i32
      scf.if %cond3A_192 {
        %add3A_248 = arith.constant 1 : i32
        %add3A_249 = arith.addi %mul3A_74, %add3A_248 : i32
        %add3A_250 = arith.constant 4 : i32
        %add3A_251 = arith.addi %add3A_249, %add3A_250 : i32
        %mul3A_252 = arith.constant 128 : i32
        %mul3A_253 = arith.muli %add3A_251, %mul3A_252 : i32
        %add3A_254 = arith.addi %mul3A_2, %mul3A_253 : i32
        %dma_start3A_255 = tpu.memref_slice %arg3[%add3A_254] : memref<425984xi32, #tpu.memory_space<hbm>> -> memref<128xi32, #tpu.memory_space<hbm>>
        %dma_start3A_256 = tpu.memref_slice %arg3[%add3A_254] : memref<425984xi32, #tpu.memory_space<hbm>> -> memref<128xi32, #tpu.memory_space<hbm>>
        tpu.enqueue_dma source(%dma_start3A_256 : memref<128xi32, #tpu.memory_space<hbm>>) target(%arg6 : memref<128xi32, #tpu.memory_space<vmem>>) target_semaphore(%arg14 : memref<!tpu.dma_semaphore, #tpu.memory_space<semaphore_mem>>)
      } else {
      }
      %add3A_193 = arith.constant 2 : i32
      %add3A_194 = arith.addi %mul3A_74, %add3A_193 : i32
      %dma_wait3A_195 = arith.constant 0 : i32
      %dma_wait3A_196 = arith.constant 0 : i32
      %dma_wait3A_197 = tpu.memref_slice %arg2[%dma_wait3A_195, %dma_wait3A_196] : memref<1000000x128xf32, #tpu.memory_space<hbm>> -> memref<1000000x128xf32, #tpu.memory_space<hbm>>
      tpu.wait_indirect_dma semaphore(%arg19 : memref<!tpu.dma_semaphore, #tpu.memory_space<semaphore_mem>>) src(%dma_wait3A_197 : memref<1000000x128xf32, #tpu.memory_space<hbm>>) dst(%arg11 : memref<128x128xf32, #tpu.memory_space<vmem>>)
      %add3A_198 = arith.constant 2 : i32
      %add3A_199 = arith.addi %mul3A_74, %add3A_198 : i32
      %mul3A_200 = arith.constant 128 : i32
      %mul3A_201 = arith.muli %add3A_199, %mul3A_200 : i32
      %add3A_202 = arith.addi %mul3A_2, %mul3A_201 : i32
      %dma_start3A_203 = arith.constant 0 : i32
      %dma_start3A_204 = arith.constant 0 : i32
      %dma_start3A_205 = tpu.memref_slice %arg11[%dma_start3A_203, %dma_start3A_204] : memref<128x128xf32, #tpu.memory_space<vmem>> -> memref<128x64xf32, #tpu.memory_space<vmem>>
      %dma_start3A_206 = arith.constant 0 : i32
      %dma_start3A_207 = tpu.memref_slice %arg4[%add3A_202, %dma_start3A_206] : memref<425984x128xf32, #tpu.memory_space<hbm>> -> memref<128x64xf32, #tpu.memory_space<hbm>>
      %dma_start3A_208 = arith.constant 0 : i32
      %dma_start3A_209 = tpu.memref_slice %arg4[%add3A_202, %dma_start3A_208] : memref<425984x128xf32, #tpu.memory_space<hbm>> -> memref<128x64xf32, #tpu.memory_space<hbm>>
      %dma_start3A_210 = arith.constant 0 : i32
      %dma_start3A_211 = arith.constant 0 : i32
      %dma_start3A_212 = tpu.memref_slice %arg11[%dma_start3A_210, %dma_start3A_211] : memref<128x128xf32, #tpu.memory_space<vmem>> -> memref<128x64xf32, #tpu.memory_space<vmem>>
      tpu.enqueue_dma source(%dma_start3A_212 : memref<128x64xf32, #tpu.memory_space<vmem>>) target(%dma_start3A_209 : memref<128x64xf32, #tpu.memory_space<hbm>>) target_semaphore(%arg23 : memref<!tpu.dma_semaphore, #tpu.memory_space<semaphore_mem>>)
      %add3A_213 = arith.constant 1 : i32
      %add3A_214 = arith.addi %scan3A_71, %add3A_213 : i32
      %lt3A_215 = arith.constant 26 : i32
      %lt3A_216 = arith.cmpi slt, %add3A_214, %lt3A_215 : i32
      %convert_element_type3A_217 = arith.extui %lt3A_216 : i1 to i32
      %cond3A_218 = arith.constant 0 : i32
      %cond3A_219 = arith.cmpi ne, %convert_element_type3A_217, %cond3A_218 : i32
      scf.if %cond3A_219 {
        %add3A_248 = arith.constant 2 : i32
        %add3A_249 = arith.addi %mul3A_74, %add3A_248 : i32
        %add3A_250 = arith.constant 4 : i32
        %add3A_251 = arith.addi %add3A_249, %add3A_250 : i32
        %mul3A_252 = arith.constant 128 : i32
        %mul3A_253 = arith.muli %add3A_251, %mul3A_252 : i32
        %add3A_254 = arith.addi %mul3A_2, %mul3A_253 : i32
        %dma_start3A_255 = tpu.memref_slice %arg3[%add3A_254] : memref<425984xi32, #tpu.memory_space<hbm>> -> memref<128xi32, #tpu.memory_space<hbm>>
        %dma_start3A_256 = tpu.memref_slice %arg3[%add3A_254] : memref<425984xi32, #tpu.memory_space<hbm>> -> memref<128xi32, #tpu.memory_space<hbm>>
        tpu.enqueue_dma source(%dma_start3A_256 : memref<128xi32, #tpu.memory_space<hbm>>) target(%arg7 : memref<128xi32, #tpu.memory_space<vmem>>) target_semaphore(%arg15 : memref<!tpu.dma_semaphore, #tpu.memory_space<semaphore_mem>>)
      } else {
      }
      %add3A_220 = arith.constant 3 : i32
      %add3A_221 = arith.addi %mul3A_74, %add3A_220 : i32
      %dma_wait3A_222 = arith.constant 0 : i32
      %dma_wait3A_223 = arith.constant 0 : i32
      %dma_wait3A_224 = tpu.memref_slice %arg2[%dma_wait3A_222, %dma_wait3A_223] : memref<1000000x128xf32, #tpu.memory_space<hbm>> -> memref<1000000x128xf32, #tpu.memory_space<hbm>>
      tpu.wait_indirect_dma semaphore(%arg20 : memref<!tpu.dma_semaphore, #tpu.memory_space<semaphore_mem>>) src(%dma_wait3A_224 : memref<1000000x128xf32, #tpu.memory_space<hbm>>) dst(%arg12 : memref<128x128xf32, #tpu.memory_space<vmem>>)
      %add3A_225 = arith.constant 3 : i32
      %add3A_226 = arith.addi %mul3A_74, %add3A_225 : i32
      %mul3A_227 = arith.constant 128 : i32
      %mul3A_228 = arith.muli %add3A_226, %mul3A_227 : i32
      %add3A_229 = arith.addi %mul3A_2, %mul3A_228 : i32
      %dma_start3A_230 = arith.constant 0 : i32
      %dma_start3A_231 = arith.constant 0 : i32
      %dma_start3A_232 = tpu.memref_slice %arg12[%dma_start3A_230, %dma_start3A_231] : memref<128x128xf32, #tpu.memory_space<vmem>> -> memref<128x64xf32, #tpu.memory_space<vmem>>
      %dma_start3A_233 = arith.constant 0 : i32
      %dma_start3A_234 = tpu.memref_slice %arg4[%add3A_229, %dma_start3A_233] : memref<425984x128xf32, #tpu.memory_space<hbm>> -> memref<128x64xf32, #tpu.memory_space<hbm>>
      %dma_start3A_235 = arith.constant 0 : i32
      %dma_start3A_236 = tpu.memref_slice %arg4[%add3A_229, %dma_start3A_235] : memref<425984x128xf32, #tpu.memory_space<hbm>> -> memref<128x64xf32, #tpu.memory_space<hbm>>
      %dma_start3A_237 = arith.constant 0 : i32
      %dma_start3A_238 = arith.constant 0 : i32
      %dma_start3A_239 = tpu.memref_slice %arg12[%dma_start3A_237, %dma_start3A_238] : memref<128x128xf32, #tpu.memory_space<vmem>> -> memref<128x64xf32, #tpu.memory_space<vmem>>
      tpu.enqueue_dma source(%dma_start3A_239 : memref<128x64xf32, #tpu.memory_space<vmem>>) target(%dma_start3A_236 : memref<128x64xf32, #tpu.memory_space<hbm>>) target_semaphore(%arg24 : memref<!tpu.dma_semaphore, #tpu.memory_space<semaphore_mem>>)
      %add3A_240 = arith.constant 1 : i32
      %add3A_241 = arith.addi %scan3A_71, %add3A_240 : i32
      %lt3A_242 = arith.constant 26 : i32
      %lt3A_243 = arith.cmpi slt, %add3A_241, %lt3A_242 : i32
      %convert_element_type3A_244 = arith.extui %lt3A_243 : i1 to i32
      %cond3A_245 = arith.constant 0 : i32
      %cond3A_246 = arith.cmpi ne, %convert_element_type3A_244, %cond3A_245 : i32
      scf.if %cond3A_246 {
        %add3A_248 = arith.constant 3 : i32
        %add3A_249 = arith.addi %mul3A_74, %add3A_248 : i32
        %add3A_250 = arith.constant 4 : i32
        %add3A_251 = arith.addi %add3A_249, %add3A_250 : i32
        %mul3A_252 = arith.constant 128 : i32
        %mul3A_253 = arith.muli %add3A_251, %mul3A_252 : i32
        %add3A_254 = arith.addi %mul3A_2, %mul3A_253 : i32
        %dma_start3A_255 = tpu.memref_slice %arg3[%add3A_254] : memref<425984xi32, #tpu.memory_space<hbm>> -> memref<128xi32, #tpu.memory_space<hbm>>
        %dma_start3A_256 = tpu.memref_slice %arg3[%add3A_254] : memref<425984xi32, #tpu.memory_space<hbm>> -> memref<128xi32, #tpu.memory_space<hbm>>
        tpu.enqueue_dma source(%dma_start3A_256 : memref<128xi32, #tpu.memory_space<hbm>>) target(%arg8 : memref<128xi32, #tpu.memory_space<vmem>>) target_semaphore(%arg16 : memref<!tpu.dma_semaphore, #tpu.memory_space<semaphore_mem>>)
      } else {
      }
      %scan3A_247 = arith.constant 0 : i32
      scf.yield %scan3A_247 : i32
    }
    %scan3A_23 = arith.constant 26 : i32
    %add3A_24 = arith.constant 12800 : i32
    %add3A_25 = arith.addi %mul3A_2, %add3A_24 : i32
    %dma_wait3A = arith.constant 0 : i32
    %dma_wait3A_26 = arith.constant 0 : i32
    %dma_wait3A_27 = tpu.memref_slice %arg9[%dma_wait3A, %dma_wait3A_26] : memref<128x128xf32, #tpu.memory_space<vmem>> -> memref<128x64xf32, #tpu.memory_space<vmem>>
    %dma_wait3A_28 = arith.constant 0 : i32
    %dma_wait3A_29 = tpu.memref_slice %arg4[%add3A_25, %dma_wait3A_28] : memref<425984x128xf32, #tpu.memory_space<hbm>> -> memref<128x64xf32, #tpu.memory_space<hbm>>
    %dma_wait3A_30 = arith.constant 0 : i32
    %dma_wait3A_31 = tpu.memref_slice %arg4[%add3A_25, %dma_wait3A_30] : memref<425984x128xf32, #tpu.memory_space<hbm>> -> memref<128x64xf32, #tpu.memory_space<hbm>>
    %dma_wait3A_32 = arith.constant 0 : i32
    %dma_wait3A_33 = arith.constant 0 : i32
    %dma_wait3A_34 = tpu.memref_slice %arg9[%dma_wait3A_32, %dma_wait3A_33] : memref<128x128xf32, #tpu.memory_space<vmem>> -> memref<128x64xf32, #tpu.memory_space<vmem>>
    tpu.wait_dma2 semaphore(%arg21 : memref<!tpu.dma_semaphore, #tpu.memory_space<semaphore_mem>>) src(%dma_wait3A_34 : memref<128x64xf32, #tpu.memory_space<vmem>>) dst(%dma_wait3A_31 : memref<128x64xf32, #tpu.memory_space<hbm>>)
    %add3A_35 = arith.constant 12928 : i32
    %add3A_36 = arith.addi %mul3A_2, %add3A_35 : i32
    %dma_wait3A_37 = arith.constant 0 : i32
    %dma_wait3A_38 = arith.constant 0 : i32
    %dma_wait3A_39 = tpu.memref_slice %arg10[%dma_wait3A_37, %dma_wait3A_38] : memref<128x128xf32, #tpu.memory_space<vmem>> -> memref<128x64xf32, #tpu.memory_space<vmem>>
    %dma_wait3A_40 = arith.constant 0 : i32
    %dma_wait3A_41 = tpu.memref_slice %arg4[%add3A_36, %dma_wait3A_40] : memref<425984x128xf32, #tpu.memory_space<hbm>> -> memref<128x64xf32, #tpu.memory_space<hbm>>
    %dma_wait3A_42 = arith.constant 0 : i32
    %dma_wait3A_43 = tpu.memref_slice %arg4[%add3A_36, %dma_wait3A_42] : memref<425984x128xf32, #tpu.memory_space<hbm>> -> memref<128x64xf32, #tpu.memory_space<hbm>>
    %dma_wait3A_44 = arith.constant 0 : i32
    %dma_wait3A_45 = arith.constant 0 : i32
    %dma_wait3A_46 = tpu.memref_slice %arg10[%dma_wait3A_44, %dma_wait3A_45] : memref<128x128xf32, #tpu.memory_space<vmem>> -> memref<128x64xf32, #tpu.memory_space<vmem>>
    tpu.wait_dma2 semaphore(%arg22 : memref<!tpu.dma_semaphore, #tpu.memory_space<semaphore_mem>>) src(%dma_wait3A_46 : memref<128x64xf32, #tpu.memory_space<vmem>>) dst(%dma_wait3A_43 : memref<128x64xf32, #tpu.memory_space<hbm>>)
    %add3A_47 = arith.constant 13056 : i32
    %add3A_48 = arith.addi %mul3A_2, %add3A_47 : i32
    %dma_wait3A_49 = arith.constant 0 : i32
    %dma_wait3A_50 = arith.constant 0 : i32
    %dma_wait3A_51 = tpu.memref_slice %arg11[%dma_wait3A_49, %dma_wait3A_50] : memref<128x128xf32, #tpu.memory_space<vmem>> -> memref<128x64xf32, #tpu.memory_space<vmem>>
    %dma_wait3A_52 = arith.constant 0 : i32
    %dma_wait3A_53 = tpu.memref_slice %arg4[%add3A_48, %dma_wait3A_52] : memref<425984x128xf32, #tpu.memory_space<hbm>> -> memref<128x64xf32, #tpu.memory_space<hbm>>
    %dma_wait3A_54 = arith.constant 0 : i32
    %dma_wait3A_55 = tpu.memref_slice %arg4[%add3A_48, %dma_wait3A_54] : memref<425984x128xf32, #tpu.memory_space<hbm>> -> memref<128x64xf32, #tpu.memory_space<hbm>>
    %dma_wait3A_56 = arith.constant 0 : i32
    %dma_wait3A_57 = arith.constant 0 : i32
    %dma_wait3A_58 = tpu.memref_slice %arg11[%dma_wait3A_56, %dma_wait3A_57] : memref<128x128xf32, #tpu.memory_space<vmem>> -> memref<128x64xf32, #tpu.memory_space<vmem>>
    tpu.wait_dma2 semaphore(%arg23 : memref<!tpu.dma_semaphore, #tpu.memory_space<semaphore_mem>>) src(%dma_wait3A_58 : memref<128x64xf32, #tpu.memory_space<vmem>>) dst(%dma_wait3A_55 : memref<128x64xf32, #tpu.memory_space<hbm>>)
    %add3A_59 = arith.constant 13184 : i32
    %add3A_60 = arith.addi %mul3A_2, %add3A_59 : i32
    %dma_wait3A_61 = arith.constant 0 : i32
    %dma_wait3A_62 = arith.constant 0 : i32
    %dma_wait3A_63 = tpu.memref_slice %arg12[%dma_wait3A_61, %dma_wait3A_62] : memref<128x128xf32, #tpu.memory_space<vmem>> -> memref<128x64xf32, #tpu.memory_space<vmem>>
    %dma_wait3A_64 = arith.constant 0 : i32
    %dma_wait3A_65 = tpu.memref_slice %arg4[%add3A_60, %dma_wait3A_64] : memref<425984x128xf32, #tpu.memory_space<hbm>> -> memref<128x64xf32, #tpu.memory_space<hbm>>
    %dma_wait3A_66 = arith.constant 0 : i32
    %dma_wait3A_67 = tpu.memref_slice %arg4[%add3A_60, %dma_wait3A_66] : memref<425984x128xf32, #tpu.memory_space<hbm>> -> memref<128x64xf32, #tpu.memory_space<hbm>>
    %dma_wait3A_68 = arith.constant 0 : i32
    %dma_wait3A_69 = arith.constant 0 : i32
    %dma_wait3A_70 = tpu.memref_slice %arg12[%dma_wait3A_68, %dma_wait3A_69] : memref<128x128xf32, #tpu.memory_space<vmem>> -> memref<128x64xf32, #tpu.memory_space<vmem>>
    tpu.wait_dma2 semaphore(%arg24 : memref<!tpu.dma_semaphore, #tpu.memory_space<semaphore_mem>>) src(%dma_wait3A_70 : memref<128x64xf32, #tpu.memory_space<vmem>>) dst(%dma_wait3A_67 : memref<128x64xf32, #tpu.memory_space<hbm>>)
    return
  }
}

module attributes {stable_mosaic.version = 14 : i64} {
  func.func @body(%arg0: i32, %arg1: memref<64x16384xf32, #tpu.memory_space<vmem>>, %arg2: memref<16384x128xf32, #tpu.memory_space<vmem>>) attributes {dimension_semantics = [#tpu.dimension_semantics<arbitrary>], iteration_bounds = array<i64: 62>, scalar_prefetch = 0 : i64, scratch_operands = 0 : i64, tpu.core_type = #tpu.core_type<tc>, window_params = [{transform_indices = @transform_0, window_bounds = array<i64: 64, 16384>}, {transform_indices = @transform_1, window_bounds = array<i64: 16384, 128>}]} {
    %iota3A = tpu.iota {dimensions = array<i32: 0>} : vector<64x64xi32>
    %iota3A_0 = tpu.iota {dimensions = array<i32: 1>} : vector<64x64xi32>
    %add3A = arith.constant 0 : i32
    %add3A_1 = vector.broadcast %add3A : i32 to vector<64x64xi32>
    %add3A_2 = arith.addi %iota3A, %add3A_1 : vector<64x64xi32>
    %eq3A = arith.cmpi eq, %add3A_2, %iota3A_0 : vector<64x64xi32>
    %convert_element_type3A = arith.extui %eq3A : vector<64x64xi1> to vector<64x64xi32>
    %convert_element_type3A_3 = arith.sitofp %convert_element_type3A : vector<64x64xi32> to vector<64x64xf32>
    %get3A = arith.constant 0 : index
    %get3A_4 = arith.constant 0 : index
    %get3A_5 = vector.load %arg1[%get3A, %get3A_4] : memref<64x16384xf32, #tpu.memory_space<vmem>>, vector<64x16384xf32>
    %dot_general3A = arith.constant dense<0.000000e+00> : vector<16384x64xf32>
    %dot_general3A_6 = tpu.matmul %get3A_5, %convert_element_type3A_3, %dot_general3A {dimension_numbers = #tpu.dot_dimension_numbers<[0], [0], [1], [1], [0, 1, 1, 1], [], []>, transpose_lhs_hint = false} : vector<64x16384xf32>, vector<64x64xf32>, vector<16384x64xf32> -> vector<16384x64xf32>
    %swap3A = arith.constant 0 : index
    %swap3A_7 = arith.constant 0 : index
    %swap3A_8 = vector.load %arg2[%swap3A, %swap3A_7] : memref<16384x128xf32, #tpu.memory_space<vmem>>, vector<16384x64xf32>
    tpu.vector_store %arg2[%swap3A, %swap3A_7], %dot_general3A_6 {strides = array<i32>} : memref<16384x128xf32, #tpu.memory_space<vmem>>, vector<16384x64xf32>,
    %swap3A_9 = arith.constant 0 : index
    %swap3A_10 = arith.constant 64 : index
    %swap3A_11 = vector.load %arg2[%swap3A_9, %swap3A_10] : memref<16384x128xf32, #tpu.memory_space<vmem>>, vector<16384x64xf32>
    tpu.vector_store %arg2[%swap3A_9, %swap3A_10], %dot_general3A_6 {strides = array<i32>} : memref<16384x128xf32, #tpu.memory_space<vmem>>, vector<16384x64xf32>,
    return
  }
  func.func @transform_0(%arg0: i32) -> (i32, i32) {
    %c0_i32 = arith.constant 0 : i32
    %c0_i32_0 = arith.constant 0 : i32
    return %c0_i32, %arg0 : i32, i32
  }
  func.func @transform_1(%arg0: i32) -> (i32, i32) {
    %c0_i32 = arith.constant 0 : i32
    %c0_i32_0 = arith.constant 0 : i32
    return %arg0, %c0_i32 : i32, i32
  }
}

module attributes {stable_mosaic.version = 14 : i64} {
  func.func @body(%arg0: i32, %arg1: i32, %arg2: memref<4096x128xf32, #tpu.memory_space<vmem>>, %arg3: memref<1x64x4096xf32, #tpu.memory_space<vmem>>) attributes {dimension_semantics = [#tpu.dimension_semantics<arbitrary>, #tpu.dimension_semantics<arbitrary>], iteration_bounds = array<i64: 26, 4>, scalar_prefetch = 0 : i64, scratch_operands = 0 : i64, tpu.core_type = #tpu.core_type<tc>, window_params = [{transform_indices = @transform_0, window_bounds = array<i64: 4096, 128>}, {transform_indices = @transform_1, window_bounds = array<i64: 1, 64, 4096>}]} {
    %iota3A = tpu.iota {dimensions = array<i32: 0>} : vector<64x64xi32>
    %iota3A_0 = tpu.iota {dimensions = array<i32: 1>} : vector<64x64xi32>
    %add3A = arith.constant 0 : i32
    %add3A_1 = vector.broadcast %add3A : i32 to vector<64x64xi32>
    %add3A_2 = arith.addi %iota3A, %add3A_1 : vector<64x64xi32>
    %eq3A = arith.cmpi eq, %add3A_2, %iota3A_0 : vector<64x64xi32>
    %convert_element_type3A = arith.extui %eq3A : vector<64x64xi1> to vector<64x64xi32>
    %convert_element_type3A_3 = arith.sitofp %convert_element_type3A : vector<64x64xi32> to vector<64x64xf32>
    %get3A = arith.constant 0 : index
    %get3A_4 = arith.constant 0 : index
    %get3A_5 = vector.load %arg2[%get3A, %get3A_4] : memref<4096x128xf32, #tpu.memory_space<vmem>>, vector<4096x64xf32>
    %dot_general3A = arith.constant dense<0.000000e+00> : vector<64x4096xf32>
    %dot_general3A_6 = tpu.matmul %convert_element_type3A_3, %get3A_5, %dot_general3A {dimension_numbers = #tpu.dot_dimension_numbers<[0], [1], [1], [0], [0, 1, 1, 0], [], []>, transpose_lhs_hint = false} : vector<64x64xf32>, vector<4096x64xf32>, vector<64x4096xf32> -> vector<64x4096xf32>
    %swap3A = arith.constant 0 : index
    %swap3A_7 = arith.constant 0 : index
    %swap3A_8 = arith.constant 0 : index
    %swap3A_9 = vector.load %arg3[%swap3A, %swap3A_7, %swap3A_8] : memref<1x64x4096xf32, #tpu.memory_space<vmem>>, vector<1x64x4096xf32>
    %swap3A_10 = vector.shape_cast %swap3A_9 : vector<1x64x4096xf32> to vector<64x4096xf32>
    %swap3A_11 = vector.shape_cast %dot_general3A_6 : vector<64x4096xf32> to vector<1x64x4096xf32>
    tpu.vector_store %arg3[%swap3A, %swap3A_7, %swap3A_8], %swap3A_11 {strides = array<i32>} : memref<1x64x4096xf32, #tpu.memory_space<vmem>>, vector<1x64x4096xf32>,
    return
  }
  func.func @transform_0(%arg0: i32, %arg1: i32) -> (i32, i32) {
    %mul3A = arith.constant 4 : i32
    %mul3A_0 = arith.muli %arg0, %mul3A : i32
    %add3A = arith.addi %mul3A_0, %arg1 : i32
    %c0_i32 = arith.constant 0 : i32
    %c0_i32_1 = arith.constant 0 : i32
    return %add3A, %c0_i32 : i32, i32
  }
  func.func @transform_1(%arg0: i32, %arg1: i32) -> (i32, i32, i32) {
    %c0_i32 = arith.constant 0 : i32
    %c0_i32_0 = arith.constant 0 : i32
    return %arg0, %c0_i32, %arg1 : i32, i32, i32
  }
}

module attributes {stable_mosaic.version = 14 : i64} {
  func.func @body(%arg0: memref<26x16384xi32, #tpu.memory_space<vmem>>, %arg1: memref<425984xi32, #tpu.memory_space<vmem>>) attributes {dimension_semantics = [], scalar_prefetch = 0 : i64, scratch_operands = 0 : i64, tpu.core_type = #tpu.core_type<tc>} {
    %get3A = arith.constant 0 : index
    %get3A_0 = arith.constant 0 : index
    %get3A_1 = vector.load %arg0[%get3A, %get3A_0] : memref<26x16384xi32, #tpu.memory_space<vmem>>, vector<1x16384xi32>
    %get3A_2 = vector.shape_cast %get3A_1 : vector<1x16384xi32> to vector<16384xi32>
    %swap3A = arith.constant 0 : index
    %swap3A_3 = vector.load %arg1[%swap3A] : memref<425984xi32, #tpu.memory_space<vmem>>, vector<16384xi32>
    tpu.vector_store %arg1[%swap3A], %get3A_2 {strides = array<i32>} : memref<425984xi32, #tpu.memory_space<vmem>>, vector<16384xi32>,
    %get3A_4 = arith.constant 1 : index
    %get3A_5 = arith.constant 0 : index
    %get3A_6 = vector.load %arg0[%get3A_4, %get3A_5] : memref<26x16384xi32, #tpu.memory_space<vmem>>, vector<1x16384xi32>
    %get3A_7 = vector.shape_cast %get3A_6 : vector<1x16384xi32> to vector<16384xi32>
    %swap3A_8 = arith.constant 16384 : index
    %swap3A_9 = vector.load %arg1[%swap3A_8] : memref<425984xi32, #tpu.memory_space<vmem>>, vector<16384xi32>
    tpu.vector_store %arg1[%swap3A_8], %get3A_7 {strides = array<i32>} : memref<425984xi32, #tpu.memory_space<vmem>>, vector<16384xi32>,
    %get3A_10 = arith.constant 2 : index
    %get3A_11 = arith.constant 0 : index
    %get3A_12 = vector.load %arg0[%get3A_10, %get3A_11] : memref<26x16384xi32, #tpu.memory_space<vmem>>, vector<1x16384xi32>
    %get3A_13 = vector.shape_cast %get3A_12 : vector<1x16384xi32> to vector<16384xi32>
    %swap3A_14 = arith.constant 32768 : index
    %swap3A_15 = vector.load %arg1[%swap3A_14] : memref<425984xi32, #tpu.memory_space<vmem>>, vector<16384xi32>
    tpu.vector_store %arg1[%swap3A_14], %get3A_13 {strides = array<i32>} : memref<425984xi32, #tpu.memory_space<vmem>>, vector<16384xi32>,
    %get3A_16 = arith.constant 3 : index
    %get3A_17 = arith.constant 0 : index
    %get3A_18 = vector.load %arg0[%get3A_16, %get3A_17] : memref<26x16384xi32, #tpu.memory_space<vmem>>, vector<1x16384xi32>
    %get3A_19 = vector.shape_cast %get3A_18 : vector<1x16384xi32> to vector<16384xi32>
    %swap3A_20 = arith.constant 49152 : index
    %swap3A_21 = vector.load %arg1[%swap3A_20] : memref<425984xi32, #tpu.memory_space<vmem>>, vector<16384xi32>
    tpu.vector_store %arg1[%swap3A_20], %get3A_19 {strides = array<i32>} : memref<425984xi32, #tpu.memory_space<vmem>>, vector<16384xi32>,
    %get3A_22 = arith.constant 4 : index
    %get3A_23 = arith.constant 0 : index
    %get3A_24 = vector.load %arg0[%get3A_22, %get3A_23] : memref<26x16384xi32, #tpu.memory_space<vmem>>, vector<1x16384xi32>
    %get3A_25 = vector.shape_cast %get3A_24 : vector<1x16384xi32> to vector<16384xi32>
    %swap3A_26 = arith.constant 65536 : index
    %swap3A_27 = vector.load %arg1[%swap3A_26] : memref<425984xi32, #tpu.memory_space<vmem>>, vector<16384xi32>
    tpu.vector_store %arg1[%swap3A_26], %get3A_25 {strides = array<i32>} : memref<425984xi32, #tpu.memory_space<vmem>>, vector<16384xi32>,
    %get3A_28 = arith.constant 5 : index
    %get3A_29 = arith.constant 0 : index
    %get3A_30 = vector.load %arg0[%get3A_28, %get3A_29] : memref<26x16384xi32, #tpu.memory_space<vmem>>, vector<1x16384xi32>
    %get3A_31 = vector.shape_cast %get3A_30 : vector<1x16384xi32> to vector<16384xi32>
    %swap3A_32 = arith.constant 81920 : index
    %swap3A_33 = vector.load %arg1[%swap3A_32] : memref<425984xi32, #tpu.memory_space<vmem>>, vector<16384xi32>
    tpu.vector_store %arg1[%swap3A_32], %get3A_31 {strides = array<i32>} : memref<425984xi32, #tpu.memory_space<vmem>>, vector<16384xi32>,
    %get3A_34 = arith.constant 6 : index
    %get3A_35 = arith.constant 0 : index
    %get3A_36 = vector.load %arg0[%get3A_34, %get3A_35] : memref<26x16384xi32, #tpu.memory_space<vmem>>, vector<1x16384xi32>
    %get3A_37 = vector.shape_cast %get3A_36 : vector<1x16384xi32> to vector<16384xi32>
    %swap3A_38 = arith.constant 98304 : index
    %swap3A_39 = vector.load %arg1[%swap3A_38] : memref<425984xi32, #tpu.memory_space<vmem>>, vector<16384xi32>
    tpu.vector_store %arg1[%swap3A_38], %get3A_37 {strides = array<i32>} : memref<425984xi32, #tpu.memory_space<vmem>>, vector<16384xi32>,
    %get3A_40 = arith.constant 7 : index
    %get3A_41 = arith.constant 0 : index
    %get3A_42 = vector.load %arg0[%get3A_40, %get3A_41] : memref<26x16384xi32, #tpu.memory_space<vmem>>, vector<1x16384xi32>
    %get3A_43 = vector.shape_cast %get3A_42 : vector<1x16384xi32> to vector<16384xi32>
    %swap3A_44 = arith.constant 114688 : index
    %swap3A_45 = vector.load %arg1[%swap3A_44] : memref<425984xi32, #tpu.memory_space<vmem>>, vector<16384xi32>
    tpu.vector_store %arg1[%swap3A_44], %get3A_43 {strides = array<i32>} : memref<425984xi32, #tpu.memory_space<vmem>>, vector<16384xi32>,
    %get3A_46 = arith.constant 8 : index
    %get3A_47 = arith.constant 0 : index
    %get3A_48 = vector.load %arg0[%get3A_46, %get3A_47] : memref<26x16384xi32, #tpu.memory_space<vmem>>, vector<1x16384xi32>
    %get3A_49 = vector.shape_cast %get3A_48 : vector<1x16384xi32> to vector<16384xi32>
    %swap3A_50 = arith.constant 131072 : index
    %swap3A_51 = vector.load %arg1[%swap3A_50] : memref<425984xi32, #tpu.memory_space<vmem>>, vector<16384xi32>
    tpu.vector_store %arg1[%swap3A_50], %get3A_49 {strides = array<i32>} : memref<425984xi32, #tpu.memory_space<vmem>>, vector<16384xi32>,
    %get3A_52 = arith.constant 9 : index
    %get3A_53 = arith.constant 0 : index
    %get3A_54 = vector.load %arg0[%get3A_52, %get3A_53] : memref<26x16384xi32, #tpu.memory_space<vmem>>, vector<1x16384xi32>
    %get3A_55 = vector.shape_cast %get3A_54 : vector<1x16384xi32> to vector<16384xi32>
    %swap3A_56 = arith.constant 147456 : index
    %swap3A_57 = vector.load %arg1[%swap3A_56] : memref<425984xi32, #tpu.memory_space<vmem>>, vector<16384xi32>
    tpu.vector_store %arg1[%swap3A_56], %get3A_55 {strides = array<i32>} : memref<425984xi32, #tpu.memory_space<vmem>>, vector<16384xi32>,
    %get3A_58 = arith.constant 10 : index
    %get3A_59 = arith.constant 0 : index
    %get3A_60 = vector.load %arg0[%get3A_58, %get3A_59] : memref<26x16384xi32, #tpu.memory_space<vmem>>, vector<1x16384xi32>
    %get3A_61 = vector.shape_cast %get3A_60 : vector<1x16384xi32> to vector<16384xi32>
    %swap3A_62 = arith.constant 163840 : index
    %swap3A_63 = vector.load %arg1[%swap3A_62] : memref<425984xi32, #tpu.memory_space<vmem>>, vector<16384xi32>
    tpu.vector_store %arg1[%swap3A_62], %get3A_61 {strides = array<i32>} : memref<425984xi32, #tpu.memory_space<vmem>>, vector<16384xi32>,
    %get3A_64 = arith.constant 11 : index
    %get3A_65 = arith.constant 0 : index
    %get3A_66 = vector.load %arg0[%get3A_64, %get3A_65] : memref<26x16384xi32, #tpu.memory_space<vmem>>, vector<1x16384xi32>
    %get3A_67 = vector.shape_cast %get3A_66 : vector<1x16384xi32> to vector<16384xi32>
    %swap3A_68 = arith.constant 180224 : index
    %swap3A_69 = vector.load %arg1[%swap3A_68] : memref<425984xi32, #tpu.memory_space<vmem>>, vector<16384xi32>
    tpu.vector_store %arg1[%swap3A_68], %get3A_67 {strides = array<i32>} : memref<425984xi32, #tpu.memory_space<vmem>>, vector<16384xi32>,
    %get3A_70 = arith.constant 12 : index
    %get3A_71 = arith.constant 0 : index
    %get3A_72 = vector.load %arg0[%get3A_70, %get3A_71] : memref<26x16384xi32, #tpu.memory_space<vmem>>, vector<1x16384xi32>
    %get3A_73 = vector.shape_cast %get3A_72 : vector<1x16384xi32> to vector<16384xi32>
    %swap3A_74 = arith.constant 196608 : index
    %swap3A_75 = vector.load %arg1[%swap3A_74] : memref<425984xi32, #tpu.memory_space<vmem>>, vector<16384xi32>
    tpu.vector_store %arg1[%swap3A_74], %get3A_73 {strides = array<i32>} : memref<425984xi32, #tpu.memory_space<vmem>>, vector<16384xi32>,
    %get3A_76 = arith.constant 13 : index
    %get3A_77 = arith.constant 0 : index
    %get3A_78 = vector.load %arg0[%get3A_76, %get3A_77] : memref<26x16384xi32, #tpu.memory_space<vmem>>, vector<1x16384xi32>
    %get3A_79 = vector.shape_cast %get3A_78 : vector<1x16384xi32> to vector<16384xi32>
    %swap3A_80 = arith.constant 212992 : index
    %swap3A_81 = vector.load %arg1[%swap3A_80] : memref<425984xi32, #tpu.memory_space<vmem>>, vector<16384xi32>
    tpu.vector_store %arg1[%swap3A_80], %get3A_79 {strides = array<i32>} : memref<425984xi32, #tpu.memory_space<vmem>>, vector<16384xi32>,
    %get3A_82 = arith.constant 14 : index
    %get3A_83 = arith.constant 0 : index
    %get3A_84 = vector.load %arg0[%get3A_82, %get3A_83] : memref<26x16384xi32, #tpu.memory_space<vmem>>, vector<1x16384xi32>
    %get3A_85 = vector.shape_cast %get3A_84 : vector<1x16384xi32> to vector<16384xi32>
    %swap3A_86 = arith.constant 229376 : index
    %swap3A_87 = vector.load %arg1[%swap3A_86] : memref<425984xi32, #tpu.memory_space<vmem>>, vector<16384xi32>
    tpu.vector_store %arg1[%swap3A_86], %get3A_85 {strides = array<i32>} : memref<425984xi32, #tpu.memory_space<vmem>>, vector<16384xi32>,
    %get3A_88 = arith.constant 15 : index
    %get3A_89 = arith.constant 0 : index
    %get3A_90 = vector.load %arg0[%get3A_88, %get3A_89] : memref<26x16384xi32, #tpu.memory_space<vmem>>, vector<1x16384xi32>
    %get3A_91 = vector.shape_cast %get3A_90 : vector<1x16384xi32> to vector<16384xi32>
    %swap3A_92 = arith.constant 245760 : index
    %swap3A_93 = vector.load %arg1[%swap3A_92] : memref<425984xi32, #tpu.memory_space<vmem>>, vector<16384xi32>
    tpu.vector_store %arg1[%swap3A_92], %get3A_91 {strides = array<i32>} : memref<425984xi32, #tpu.memory_space<vmem>>, vector<16384xi32>,
    %get3A_94 = arith.constant 16 : index
    %get3A_95 = arith.constant 0 : index
    %get3A_96 = vector.load %arg0[%get3A_94, %get3A_95] : memref<26x16384xi32, #tpu.memory_space<vmem>>, vector<1x16384xi32>
    %get3A_97 = vector.shape_cast %get3A_96 : vector<1x16384xi32> to vector<16384xi32>
    %swap3A_98 = arith.constant 262144 : index
    %swap3A_99 = vector.load %arg1[%swap3A_98] : memref<425984xi32, #tpu.memory_space<vmem>>, vector<16384xi32>
    tpu.vector_store %arg1[%swap3A_98], %get3A_97 {strides = array<i32>} : memref<425984xi32, #tpu.memory_space<vmem>>, vector<16384xi32>,
    %get3A_100 = arith.constant 17 : index
    %get3A_101 = arith.constant 0 : index
    %get3A_102 = vector.load %arg0[%get3A_100, %get3A_101] : memref<26x16384xi32, #tpu.memory_space<vmem>>, vector<1x16384xi32>
    %get3A_103 = vector.shape_cast %get3A_102 : vector<1x16384xi32> to vector<16384xi32>
    %swap3A_104 = arith.constant 278528 : index
    %swap3A_105 = vector.load %arg1[%swap3A_104] : memref<425984xi32, #tpu.memory_space<vmem>>, vector<16384xi32>
    tpu.vector_store %arg1[%swap3A_104], %get3A_103 {strides = array<i32>} : memref<425984xi32, #tpu.memory_space<vmem>>, vector<16384xi32>,
    %get3A_106 = arith.constant 18 : index
    %get3A_107 = arith.constant 0 : index
    %get3A_108 = vector.load %arg0[%get3A_106, %get3A_107] : memref<26x16384xi32, #tpu.memory_space<vmem>>, vector<1x16384xi32>
    %get3A_109 = vector.shape_cast %get3A_108 : vector<1x16384xi32> to vector<16384xi32>
    %swap3A_110 = arith.constant 294912 : index
    %swap3A_111 = vector.load %arg1[%swap3A_110] : memref<425984xi32, #tpu.memory_space<vmem>>, vector<16384xi32>
    tpu.vector_store %arg1[%swap3A_110], %get3A_109 {strides = array<i32>} : memref<425984xi32, #tpu.memory_space<vmem>>, vector<16384xi32>,
    %get3A_112 = arith.constant 19 : index
    %get3A_113 = arith.constant 0 : index
    %get3A_114 = vector.load %arg0[%get3A_112, %get3A_113] : memref<26x16384xi32, #tpu.memory_space<vmem>>, vector<1x16384xi32>
    %get3A_115 = vector.shape_cast %get3A_114 : vector<1x16384xi32> to vector<16384xi32>
    %swap3A_116 = arith.constant 311296 : index
    %swap3A_117 = vector.load %arg1[%swap3A_116] : memref<425984xi32, #tpu.memory_space<vmem>>, vector<16384xi32>
    tpu.vector_store %arg1[%swap3A_116], %get3A_115 {strides = array<i32>} : memref<425984xi32, #tpu.memory_space<vmem>>, vector<16384xi32>,
    %get3A_118 = arith.constant 20 : index
    %get3A_119 = arith.constant 0 : index
    %get3A_120 = vector.load %arg0[%get3A_118, %get3A_119] : memref<26x16384xi32, #tpu.memory_space<vmem>>, vector<1x16384xi32>
    %get3A_121 = vector.shape_cast %get3A_120 : vector<1x16384xi32> to vector<16384xi32>
    %swap3A_122 = arith.constant 327680 : index
    %swap3A_123 = vector.load %arg1[%swap3A_122] : memref<425984xi32, #tpu.memory_space<vmem>>, vector<16384xi32>
    tpu.vector_store %arg1[%swap3A_122], %get3A_121 {strides = array<i32>} : memref<425984xi32, #tpu.memory_space<vmem>>, vector<16384xi32>,
    %get3A_124 = arith.constant 21 : index
    %get3A_125 = arith.constant 0 : index
    %get3A_126 = vector.load %arg0[%get3A_124, %get3A_125] : memref<26x16384xi32, #tpu.memory_space<vmem>>, vector<1x16384xi32>
    %get3A_127 = vector.shape_cast %get3A_126 : vector<1x16384xi32> to vector<16384xi32>
    %swap3A_128 = arith.constant 344064 : index
    %swap3A_129 = vector.load %arg1[%swap3A_128] : memref<425984xi32, #tpu.memory_space<vmem>>, vector<16384xi32>
    tpu.vector_store %arg1[%swap3A_128], %get3A_127 {strides = array<i32>} : memref<425984xi32, #tpu.memory_space<vmem>>, vector<16384xi32>,
    %get3A_130 = arith.constant 22 : index
    %get3A_131 = arith.constant 0 : index
    %get3A_132 = vector.load %arg0[%get3A_130, %get3A_131] : memref<26x16384xi32, #tpu.memory_space<vmem>>, vector<1x16384xi32>
    %get3A_133 = vector.shape_cast %get3A_132 : vector<1x16384xi32> to vector<16384xi32>
    %swap3A_134 = arith.constant 360448 : index
    %swap3A_135 = vector.load %arg1[%swap3A_134] : memref<425984xi32, #tpu.memory_space<vmem>>, vector<16384xi32>
    tpu.vector_store %arg1[%swap3A_134], %get3A_133 {strides = array<i32>} : memref<425984xi32, #tpu.memory_space<vmem>>, vector<16384xi32>,
    %get3A_136 = arith.constant 23 : index
    %get3A_137 = arith.constant 0 : index
    %get3A_138 = vector.load %arg0[%get3A_136, %get3A_137] : memref<26x16384xi32, #tpu.memory_space<vmem>>, vector<1x16384xi32>
    %get3A_139 = vector.shape_cast %get3A_138 : vector<1x16384xi32> to vector<16384xi32>
    %swap3A_140 = arith.constant 376832 : index
    %swap3A_141 = vector.load %arg1[%swap3A_140] : memref<425984xi32, #tpu.memory_space<vmem>>, vector<16384xi32>
    tpu.vector_store %arg1[%swap3A_140], %get3A_139 {strides = array<i32>} : memref<425984xi32, #tpu.memory_space<vmem>>, vector<16384xi32>,
    %get3A_142 = arith.constant 24 : index
    %get3A_143 = arith.constant 0 : index
    %get3A_144 = vector.load %arg0[%get3A_142, %get3A_143] : memref<26x16384xi32, #tpu.memory_space<vmem>>, vector<1x16384xi32>
    %get3A_145 = vector.shape_cast %get3A_144 : vector<1x16384xi32> to vector<16384xi32>
    %swap3A_146 = arith.constant 393216 : index
    %swap3A_147 = vector.load %arg1[%swap3A_146] : memref<425984xi32, #tpu.memory_space<vmem>>, vector<16384xi32>
    tpu.vector_store %arg1[%swap3A_146], %get3A_145 {strides = array<i32>} : memref<425984xi32, #tpu.memory_space<vmem>>, vector<16384xi32>,
    %get3A_148 = arith.constant 25 : index
    %get3A_149 = arith.constant 0 : index
    %get3A_150 = vector.load %arg0[%get3A_148, %get3A_149] : memref<26x16384xi32, #tpu.memory_space<vmem>>, vector<1x16384xi32>
    %get3A_151 = vector.shape_cast %get3A_150 : vector<1x16384xi32> to vector<16384xi32>
    %swap3A_152 = arith.constant 409600 : index
    %swap3A_153 = vector.load %arg1[%swap3A_152] : memref<425984xi32, #tpu.memory_space<vmem>>, vector<16384xi32>
    tpu.vector_store %arg1[%swap3A_152], %get3A_151 {strides = array<i32>} : memref<425984xi32, #tpu.memory_space<vmem>>, vector<16384xi32>,
    return
  }
}

</mosaic_0001>

<sc_bundles>
// kernel: kernel.6.cloned.1.call-start
scs
__scs_entry_jumppad:
0x0: {  	(pc) =	sbr.rel $0x88, $3  }
0x1: {  	(tag) =	ssettag $0x0;
	lr =	simm.s32 $0x1  }
0x2: {  	[smem:$0x3F9F] =	sst lr;
	_ =	strace $0xD0000000  }
0x3: {  	_ = 	snop  }
0x4: {  	_ = 	snop  }
0x5: {  	_ = 	snop  }
0x6: {  	_ = 	snop  }
0x7: {  	_ = 	snop  }
__scs_overlays_trampoline_lowered:
0x8: {  	[smem:$0x3FAE] =	sst s0  }
0x9: {  	[smem:$0x3FAF] =	sst s1  }
0xa: {  	[smem:$0x3FB0] =	sst s2  }
0xb: {  	[smem:$0x3FB1] =	sst s3  }
0xc: {  	[smem:$0x3FB2] =	sst s4  }
0xd: {  	[smem:$0x3FB3] =	sst s5  }
0xe: {  	[smem:$0x3FB4] =	sst s6  }
0xf: {  	[smem:$0x3FB5] =	sst s7  }
0x10: {  	[smem:$0x3FB6] =	sst s8  }
0x11: {  	[smem:$0x3FB7] =	sst s9;
	s0 =	simm.s32 @!p0 $0x0  }
0x12: {  	s1 =	sld [smem:$0x3F9D];
	s0 =	simm.s32 @p0 $0x1  }
0x13: {  	[smem:$0x3FB8] =	sst s0;
	s0 =	simm.s32 @!p1 $0x0  }
0x14: {  	s2 =	sld [smem:$0x3F9C];
	s0 =	simm.s32 @p1 $0x1  }
0x15: {  	[smem:$0x3FB9] =	sst s0;
	s0 =	simm.s32 @!p2 $0x0  }
0x16: {  	s3 =	sld [smem:$0x3FDB];
	s0 =	simm.s32 @p2 $0x1  }
0x17: {  	s4 =	simm.s32 $0x1BF5;
	[smem:$0x3FBB] =	sst s0  }
0x18: {  	s0 =	sld [smem:$0x3F9E];
	_ =	swait.ge [sflag:s4], $0x0  }
0x19: {  	s7 =	sld [smem:$0x3F9F]  }
0x1a: {  	s8 =	sadd.s32 $0xFFFFE003, lr  }
0x1b: {  	s9 =	sadd.s32 $0xFFFFFEF7, lr;
	s5 =	simm.s32 $0xFFFFFFFF;
	p2 =	slt.u32 s8, $0xFFFFF086  }
0x1c: {  	p1 =	slt.u32 s9, $0xF7A;
	s5 =	simm.s32 @!p2 $0x0  }
0x1d: {  	s5 =	simm.s32 @p1 $0x1;
	p0 =	seq.s32 s7, s2  }
0x1e: {  	s7 =	smul.u32 @!p0 $0xF7A, s2;
	p2 =	seq.s32 @!p0 s5, $0x0  }
0x1f: {  	s9 =	smul.u32 $0xF7A, s1;
	s8 =	simm.s32 @!p0 $0x1BF5;
	p2 =	por !p2, p0  }
0x20: {  	[sflag:s8] =	ssyncset.s32 @!p0 $0xFFFFF086;
	s6 =	sadd.s32 @!p0 s3, s7;
	s7 =	simm.s32 @!p0 $0x108  }
0x21: {  	s3 =	sadd.s32 s3, s9;
	s6 =	sadd.s32 @!p0 $0x88, s6;
	s7 =	simm.s32 @p2 $0x1082  }
0x22: {  	[simem:s7], [sflag:s8] =	dma.local @!p0 [hbm:s6], $0xF7A  }
0x23: {  	s9 =	sor.u32 $0xD0000000, s2;
	s6 =	simm.s32 $0x108;
	_ =	swait.ge @!p0 [sflag:s8], $0x0  }
0x24: {  	s3 =	sadd.s32 $0x88, s3;
	s6 =	simm.s32 @!p1 $0x1082;
	[sflag:s4] =	ssyncset.s32 $0xFFFFF086  }
0x25: {  	[simem:s6], [sflag:s4] =	dma.local [hbm:s3], $0xF7A  }
0x26: {  	[smem:$0x3F9F] =	sst s1;
	(tag) =	ssettag s2;
	_ =	strace s9  }
0x27: {  	s1 =	sld [smem:$0x3FAF]  }
0x28: {  	s2 =	sld [smem:$0x3FB0]  }
0x29: {  	s4 =	sld [smem:$0x3FB2]  }
0x2a: {  	p0 =	seq.s32 s5, $0x0;
	s5 =	sld [smem:$0x3FB3]  }
0x2b: {  	s6 =	sld [smem:$0x3FB4]  }
0x2c: {  	s7 =	sld [smem:$0x3FB5]  }
0x2d: {  	s3 =	simm.s32 $0x108;
	s8 =	sld [smem:$0x3FB6]  }
0x2e: {  	s3 =	simm.s32 @!p0 $0x1082;
	s9 =	sld [smem:$0x3FB7]  }
0x2f: {  	lr =	sadd.s32 s0, s3;
	s0 =	sld [smem:$0x3FAE]  }
0x30: {  	s3 =	sld [smem:$0x3FB1]  }
0x31: {  	[smem:$0x3FBA] =	sst s10  }
0x32: {  	s10 =	sld [smem:$0x3FB8];
	_ =	sdelay $0x3  }
0x33: {  	p0 =	seq.s32 s10, $0x1;
	s10 =	sld [smem:$0x3FBA];
	_ =	sdelay $0x3  }
0x34: {  	[smem:$0x3FBA] =	sst s10  }
0x35: {  	s10 =	sld [smem:$0x3FB9];
	_ =	sdelay $0x3  }
0x36: {  	p1 =	seq.s32 s10, $0x1;
	s10 =	sld [smem:$0x3FBA];
	_ =	sdelay $0x3  }
0x37: {  	[smem:$0x3FBA] =	sst s10  }
0x38: {  	s10 =	sld [smem:$0x3FBB]  }
0x39: {  	_ = 	snop;
	(pc) =	sbr.ind lr, $3  }
0x3a: {  	_ = 	snop  }
0x3b: {  	_ = 	snop  }
0x3c: {  	p2 =	seq.s32 s10, $0x1;
	s10 =	sld [smem:$0x3FBA]  }
0x3d: {  	_ =	shalt  }
0x3e: {  	_ =	shalt  }
0x3f: {  	_ =	shalt  }
0x40: {  	_ =	shalt  }
0x41: {  	_ =	shalt  }
0x42: {  	_ =	shalt  }
0x43: {  	_ =	shalt  }
0x44: {  	_ =	shalt  }
0x45: {  	_ =	shalt  }
0x46: {  	_ =	shalt  }
0x47: {  	_ =	shalt  }
0x48: {  	_ =	shalt  }
0x49: {  	_ =	shalt  }
0x4a: {  	_ =	shalt  }
0x4b: {  	_ =	shalt  }
0x4c: {  	_ =	shalt  }
0x4d: {  	_ =	shalt  }
0x4e: {  	_ =	shalt  }
0x4f: {  	_ =	shalt  }
0x50: {  	_ =	shalt  }
0x51: {  	_ =	shalt  }
0x52: {  	_ =	shalt  }
0x53: {  	_ =	shalt  }
0x54: {  	_ =	shalt  }
0x55: {  	_ =	shalt  }
0x56: {  	_ =	shalt  }
0x57: {  	_ =	shalt  }
0x58: {  	_ =	shalt  }
0x59: {  	_ =	shalt  }
0x5a: {  	_ =	shalt  }
0x5b: {  	_ =	shalt  }
0x5c: {  	_ =	shalt  }
0x5d: {  	_ =	shalt  }
0x5e: {  	_ =	shalt  }
0x5f: {  	_ =	shalt  }
0x60: {  	_ =	shalt  }
0x61: {  	_ =	shalt  }
0x62: {  	_ =	shalt  }
0x63: {  	_ =	shalt  }
0x64: {  	_ =	shalt  }
0x65: {  	_ =	shalt  }
0x66: {  	_ =	shalt  }
0x67: {  	_ =	shalt  }
0x68: {  	_ =	shalt  }
0x69: {  	_ =	shalt  }
0x6a: {  	_ =	shalt  }
0x6b: {  	_ =	shalt  }
0x6c: {  	_ =	shalt  }
0x6d: {  	_ =	shalt  }
0x6e: {  	_ =	shalt  }
0x6f: {  	_ =	shalt  }
0x70: {  	_ =	shalt  }
0x71: {  	_ =	shalt  }
0x72: {  	_ =	shalt  }
0x73: {  	_ =	shalt  }
0x74: {  	_ =	shalt  }
0x75: {  	_ =	shalt  }
0x76: {  	_ =	shalt  }
0x77: {  	_ =	shalt  }
0x78: {  	_ =	shalt  }
0x79: {  	_ =	shalt  }
0x7a: {  	_ =	shalt  }
0x7b: {  	_ =	shalt  }
0x7c: {  	_ =	shalt  }
0x7d: {  	_ =	shalt  }
0x7e: {  	_ =	shalt  }
0x7f: {  	_ =	shalt  }
0x80: {  	_ =	shalt  }
0x81: {  	_ =	shalt  }
0x82: {  	_ =	shalt  }
0x83: {  	_ =	shalt  }
0x84: {  	_ =	shalt  }
0x85: {  	_ =	shalt  }
0x86: {  	_ =	shalt  }
0x87: {  	_ =	shalt  }
.Lfunc_end0:
.L_simem_size_0:
called_computation_lowered:
.L_overlay_start_0:
0x88: {  	s2 =	sld [smem:$0x3FD9]  }
0x89: {  	s3 =	sld [smem:$0x3FFE];
	_ =	sdelay $0x1  }
0x8a: {  	s1 =	srdreg.scid  }
0x8b: {  	s0 =	sand.u32 $0x1, s1  }
0x8c: {  	s17 =	sshll.u32 s0, $0xA;
	s2 =	sadd.s32 s3, s2  }
0x8d: {  	s2 =	sadd.s32 s2, s17  }
0x8e: {  	[smem:$0x3FC6] =	sst s2  }
0x8f: {  	_ = 	snop  }
0x90: {  	s2 =	sld [smem:$0x3FD0];
	(tm) =	ssettm $0x1  }
0x91: {  	s18 =	sld [smem:$0x3FFB];
	_ =	sdelay $0x3  }
0x92: {  	_ =	strace s18  }
0x93: {  	s3 =	sld [smem:$0x3FFC];
	_ =	sdelay $0x3  }
0x94: {  	_ =	strace s3  }
0x95: {  	s3 =	sld [smem:$0x3FFD];
	_ =	sdelay $0x3  }
0x96: {  	_ =	strace s3  }
0x97: {  	_ =	strace $0x8FFFFFFF  }
0x98: {  	s19 =	sld [smem:$0x3FDB];
	_ =	sdelay $0x1  }
0x99: {  	s4 =	simm.s32 $_scs_section_size  }
0x9a: {  	s5 =	simm.s32 $_size__tile_overlayer_lowered;
	s6 =	simm.s32 $_tile_overlayer_lowered  }
0x9b: {  	s22 =	simm.s32 $0x1BFF;
	s21 =	sshll.u32 s6, $0x1;
	s3 =	sadd.s32 s4, s19  }
0x9c: {  	s7 =	simm.s32 $0x0;
	s20 =	sshll.u32 s5, $0x1;
	s5 =	sadd.s32 s21, s3  }
0x9d: {  	[timem:s7], [sflag:s22] =	dma.local [hbm:s5], s20  }
0x9e: {  	_ =	swait.ge [sflag:s22], s20  }
0x9f: {  	s4 =	ssub.s32 $0x0, s20;
	[sflag:s22] =	ssyncset.done $0x0  }
0xa0: {  	[sflag:s22] =	ssyncadd.s32 s4;
	_ =	sdelay $0x1  }
0xa1: {  	s23 =	simm.s32 $0x1B8B  }
0xa2: {  	_ =	swait.ge [sflag:s23], $0x1  }
0xa3: {  	[sflag:s23] =	ssyncset.done $0x0  }
0xa4: {  	s25 =	simm.s32 $0x1B8E;
	s24 =	sld [smem:$0x3FFE];
	[sflag:s23] =	ssyncadd.s32 $0xFFFFFFFF  }
0xa5: {  	s26 =	simm.s32 $execute0_lowered;
	[smem:$0x3FD2] =	sst s25  }
0xa6: {  	s5 =	sshll.u32 s26, $0x1;
	_ =	strace $0x80000046;
	[dreg:$0x1] =	wrdreg $0xFFFFFFFF  }
0xa7: {  	s28 =	simm.s32 $_size_execute0_lowered;
	s3 =	sadd.s32 s3, s5;
	[dreg:$0x0] =	wrdreg $0x0  }
0xa8: {  	s5 =	sshll.u32 s28, $0x1;
	[dreg:$0x2] =	wrdreg s3  }
0xa9: {  	[dreg:$0x3] =	wrdreg s5  }
0xaa: {  	[dreg:$0x4] =	wrdreg $0xC0  }
0xab: {  	_ =	task [dreg:s7], $0x5FFFF  }
0xac: {  	[dreg:$0x1] =	wrdreg $0xFFFFFFFF  }
0xad: {  	[dreg:$0x0] =	wrdreg $0x60  }
0xae: {  	[dreg:$0x2] =	wrdreg s24  }
0xaf: {  	[dreg:$0x3] =	wrdreg s2  }
0xb0: {  	[dreg:$0x4] =	wrdreg $0x9  }
0xb1: {  	_ =	task.clear_ibuf [dreg:s7], $0x5FFFF;
	_ =	strace $0x90000046  }
0xb2: {  	s29 =	simm.s32 $0x9;
	_ =	strace $0x80000048  }
0xb3: {  	_ =	swait.ge [sflag:s29], $0x1  }
0xb4: {  	[sflag:s29] =	ssyncadd.s32 $0xFFFFFFFF  }
0xb5: {  	_ =	strace $0x90000048  }
0xb6: {  	_ =	sfence  }
0xb7: {  	s30 =	sld [smem:$0x0];
	_ =	sdelay $0x2  }
0xb8: {  	s31 =	sshll.u32 s1, $0xD;
	s1 =	sshrl.u32 s1, $0x2  }
0xb9: {  	s3 =	sand.u32 $0x4000, s31;
	s1 =	sadd.s32 s1, s30  }
0xba: {  	s0 =	sor.u32 s3, s0;
	s1 =	sshll.u32 s1, $0x11  }
0xbb: {  	s0 =	sor.u32 s1, s0  }
0xbc: {  	s0 =	sadd.s32 $0x8F2B, s0  }
0xbd: {  	[sflag:s0] =	ssyncadd.remote.s32 $0x1  }
0xbe: {  	_ =	sfence.sel $0xFFFF  }
0xbf: {  	[dreg:$0x0] =	wrdreg $0xFFFFFFFF;
	(pc) =	sbr.abs _section_cstart, $3  }
0xc0: {  	[dreg:$0x1] =	wrdreg $0xFFFFFFFF  }
0xc1: {  	_ =	task.clear_ibuf [dreg:s7], $0x2FFFF;
	_ =	strace $0x9FFFFFFF  }
0xc2: {  	(tm) =	ssettm $0x7FFFFFFF  }
0xc3: {  	_ =	shalt  }
tec
execute0_lowered:
.L_overlay_start_1:
0x0: {  	(tag) =	ssettag $0x1  }
0x1: {  	s0 =	rddreg [dreg:$0x0]  }
0x2: {  	s1 =	srdreg.scid;
	s3 =	stileid.u32  }
0x3: {  	s2 =	rddreg [dreg:$0x1];
	s19 =	simm.s32 $0x80;
	s22 =	simm.s32 $0x1  }
0x4: {  	s24 =	simm.s32 $0x2;
	s29 =	simm.s32 $0x4;
	s31 =	simm.s32 $0x5  }
0x5: {  	s9 =	simm.s32 $0x0;
	s1 =	sand.u32 $0x1, s1;
	s4 =	sshll.u32 s3, $0x1  }
0x6: {  	s3 =	simm.s32 $0x0;
	s5 =	sadd.s32 $0xF42C00, s0;
	s6 =	sor.u32 s1, s4  }
0x7: {  	[smem:$0x7FF] =	sst s3;
	s4 =	sadd.s32 $0x800, s0;
	s1 =	ssub.s32 $0x2, s1  }
0x8: {  	s7 =	smul.u32 $0x3400, s6;
	_ =	strace $0x80000047;
	s25 =	sshrl.u32 s1, $0x1  }
0x9: {  	s13 =	smul.u32 $0x1A0000, s6;
	s0 =	ssub.s32 s1, s25;
	s1 =	simm.s32 $0x6  }
0xa: {  	s8 =	sshrl.u32 s7, $0x3;
	s10 =	sor.u32 $0x80, s7;
	s11 =	sor.u32 $0x100, s7  }
0xb: {  	s12 =	sor.u32 $0x180, s7;
	s14 =	sor.u32 $0x200, s7;
	s0 =	smax.u32 s0, $0x1  }
0xc: {  	s15 =	sor.u32 $0x280, s7;
	s8 =	sadd.s32 s2, s8;
	[dreg:$0x7] =	wrdreg s0  }
0xd: {  	s16 =	sor.u32 $0x300, s7;
	s26 =	sadd.s32 $0x10, s8;
	[dreg:$0x3] =	wrdreg s8  }
0xe: {  	s17 =	sor.u32 $0x380, s7;
	s28 =	sadd.s32 $0x20, s8;
	[dreg:$0x4] =	wrdreg s26  }
0xf: {  	s7 =	simm.s32 $0x8;
	s30 =	sadd.s32 $0x30, s8;
	[dreg:$0x5] =	wrdreg s28  }
0x10: {  	s0 =	simm.s32 $0x7;
	[dreg:$0x6] =	wrdreg s30;
	s26 =	simm.s32 $0x3  }
.LBB2_1:
0x11: {  	[dreg:$0x8] =	wrdreg s9  }
0x12: {  	s6 =	rddreg [dreg:$0x3]  }
0x13: {  	[tilespmem:s3], [sflag:$0x1] =	stream.linear.gather [hbm4b:s6+s3], $0x80, $0x38;
	[tilespmem:$0x10200] =	vst v63  }
0x14: {  	s23 =	rddreg [dreg:$0x4]  }
0x15: {  	[tilespmem:s19], [sflag:$0x2] =	stream.linear.gather [hbm4b:s23+s3], $0x80, $0x38;
	[tilespmem:$0x10200] =	vst v63  }
0x16: {  	s25 =	rddreg [dreg:$0x5];
	s8 =	simm.s32 $0x100  }
0x17: {  	[tilespmem:s8], [sflag:$0x3] =	stream.linear.gather [hbm4b:s25+s3], $0x80, $0x38;
	[tilespmem:$0x10200] =	vst v63  }
0x18: {  	s28 =	rddreg [dreg:$0x6];
	s30 =	simm.s32 $0x180;
	s6 =	simm.s32 $0x0  }
0x19: {  	[tilespmem:s30], [sflag:$0x4] =	stream.linear.gather [hbm4b:s28+s3], $0x80, $0x38;
	[tilespmem:$0x10200] =	vst v63  }
.LBB2_2:
0x1a: {  	_ =	swait.ge [sflag:s22], $0x80  }
0x1b: {  	p0 =	seq.s32 s6, $0x0;
	[sflag:s22] =	ssyncset.done $0x0  }
0x1c: {  	s8 =	simm.s32 @!p0 $0x9;
	[sflag:s22] =	ssyncadd.s32 $0xFFFFFF80  }
0x1d: {  	_ =	swait.ge @!p0 [sflag:s8], $0x2000  }
0x1e: {  	[sflag:s8] =	ssyncset.done @!p0 $0x0  }
0x1f: {  	s18 =	simm.s32 $0x200;
	[sflag:s8] =	ssyncadd.s32 @!p0 $0xFFFFE000  }
0x20: {  	[tilespmem:s18], [sflag:$0x5] =	stream.indirect.gather [hbm4b:s4+s19], $0x80, s3, s19, $0xb8;
	[tilespmem:$0x10200] =	vst v63  }
0x21: {  	_ =	swait.ge [sflag:s24], $0x80  }
0x22: {  	[sflag:s24] =	ssyncset.done $0x0  }
0x23: {  	s8 =	simm.s32 @!p0 $0xA;
	[sflag:s24] =	ssyncadd.s32 $0xFFFFFF80  }
0x24: {  	_ =	swait.ge @!p0 [sflag:s8], $0x2000  }
0x25: {  	[sflag:s8] =	ssyncset.done @!p0 $0x0  }
0x26: {  	s20 =	simm.s32 $0x4200;
	[sflag:s8] =	ssyncadd.s32 @!p0 $0xFFFFE000  }
0x27: {  	[tilespmem:s20], [sflag:$0x6] =	stream.indirect.gather [hbm4b:s4+s19], $0x80, s19, s19, $0xb8;
	[tilespmem:$0x10200] =	vst v63  }
0x28: {  	_ =	swait.ge [sflag:s26], $0x80  }
0x29: {  	[sflag:s26] =	ssyncset.done $0x0  }
0x2a: {  	s8 =	simm.s32 @!p0 $0xB;
	[sflag:s26] =	ssyncadd.s32 $0xFFFFFF80  }
0x2b: {  	_ =	swait.ge @!p0 [sflag:s8], $0x2000  }
0x2c: {  	[sflag:s8] =	ssyncset.done @!p0 $0x0  }
0x2d: {  	s21 =	simm.s32 $0x100;
	s9 =	simm.s32 $0x8200;
	[sflag:s8] =	ssyncadd.s32 @!p0 $0xFFFFE000  }
0x2e: {  	[tilespmem:s9], [sflag:$0x7] =	stream.indirect.gather [hbm4b:s4+s19], $0x80, s21, s19, $0xb8;
	[tilespmem:$0x10200] =	vst v63  }
0x2f: {  	_ =	swait.ge [sflag:s29], $0x80  }
0x30: {  	s23 =	simm.s32 $0x180;
	[sflag:s29] =	ssyncset.done $0x0  }
0x31: {  	s25 =	sshll.u32 s6, $0x10;
	s8 =	simm.s32 @!p0 $0xC;
	[sflag:s29] =	ssyncadd.s32 $0xFFFFFF80  }
0x32: {  	s28 =	simm.s32 $0x200;
	s20 =	sadd.s32 s13, s25;
	_ =	swait.ge @!p0 [sflag:s8], $0x2000  }
0x33: {  	s18 =	simm.s32 $0xC200;
	s20 =	sshrl.u32 s20, $0x3;
	[sflag:s8] =	ssyncset.done @!p0 $0x0  }
0x34: {  	s25 =	sadd.s32 s5, s20;
	s20 =	simm.s32 $0x10;
	[sflag:s8] =	ssyncadd.s32 @!p0 $0xFFFFE000  }
0x35: {  	[tilespmem:s18], [sflag:$0x8] =	stream.indirect.gather [hbm4b:s4+s19], $0x80, s23, s19, $0xb8;
	[tilespmem:$0x10200] =	vst v63  }
0x36: {  	s30 =	sadd.s32 $0x0, s25;
	s9 =	sshll.u32 s6, $0x9;
	_ =	swait.ge [sflag:s31], $0x4000  }
0x37: {  	s21 =	simm.s32 $0x280;
	s8 =	sadd.s32 s9, s11;
	[sflag:s31] =	ssyncset.done $0x0  }
0x38: {  	s23 =	sadd.s32 s9, s10;
	s18 =	sadd.s32 s9, s12;
	[sflag:s31] =	ssyncadd.s32 $0xFFFFC000  }
.LBB2_3:
0x39: {  	[hbm4b:s30+s3] =	stream.linear.scatter [tilespmem:s28], [sflag:$0x9], $0x40, $0x38;
	[tilespmem:$0x10200] =	vst v63  }
0x3a: {  	s30 =	smov.u32 s20;
	s28 =	smov.u32 s21;
	p0 =	sne.s32 s20, $0x7F0  }
.Ltmp0:
0x3b: {  	s20 =	sadd.s32 $0x10, s20;
	(pc) =	sbr.rel @p0 .LBB2_3-.Ltmp0, $2  }
0x3c: {  	_ =	sdelay $0x2  }
0x3d: {  	s21 =	sadd.s32 $0x80, s21;
	s30 =	sadd.s32 s30, s25  }
0x3e: {  	[hbm4b:s30+s3] =	stream.linear.scatter [tilespmem:s28], [sflag:$0x9], $0x40, $0x38;
	[tilespmem:$0x10200] =	vst v63  }
0x3f: {  	p0 =	seq.s32 s6, $0x19  }
0x40: {  	s20 =	sadd.s32 @!p0 s9, s14  }
0x41: {  	s30 =	sshll.u32 s23, $0x4;
	s20 =	sshrl.u32 @!p0 s20, $0x3  }
0x42: {  	s6 =	sadd.s32 $0x1, s6;
	s21 =	simm.s32 @!p0 $0x0;
	s20 =	sadd.s32 @!p0 s2, s20  }
0x43: {  	[tilespmem:s21], [sflag:$0x1] =	stream.linear.gather @!p0 [hbm4b:s20+s21], $0x80, $0x38;
	[tilespmem:$0x10200] =	vst v63  }
0x44: {  	s25 =	simm.s32 $0x4200;
	s20 =	sand.u32 $0x1FFFE800, s30;
	_ =	swait.ge [sflag:s1], $0x4000  }
0x45: {  	s21 =	simm.s32 $0x4280;
	s23 =	sadd.s32 s5, s20;
	[sflag:s1] =	ssyncset.done $0x0  }
0x46: {  	s20 =	simm.s32 $0x10;
	s28 =	sadd.s32 $0x0, s23;
	[sflag:s1] =	ssyncadd.s32 $0xFFFFC000  }
.LBB2_5:
0x47: {  	[hbm4b:s28+s3] =	stream.linear.scatter [tilespmem:s25], [sflag:$0xA], $0x40, $0x38;
	[tilespmem:$0x10200] =	vst v63  }
0x48: {  	s28 =	smov.u32 s20;
	s25 =	smov.u32 s21;
	p1 =	sne.s32 s20, $0x7F0  }
.Ltmp1:
0x49: {  	s20 =	sadd.s32 $0x10, s20;
	(pc) =	sbr.rel @p1 .LBB2_5-.Ltmp1, $2  }
0x4a: {  	_ =	sdelay $0x2  }
0x4b: {  	s21 =	sadd.s32 $0x80, s21;
	s28 =	sadd.s32 s28, s23  }
0x4c: {  	[hbm4b:s28+s3] =	stream.linear.scatter [tilespmem:s25], [sflag:$0xA], $0x40, $0x38;
	[tilespmem:$0x10200] =	vst v63  }
0x4d: {  	s20 =	sadd.s32 @!p0 s9, s15  }
0x4e: {  	s21 =	simm.s32 @!p0 $0x0;
	s8 =	sshll.u32 s8, $0x4;
	s20 =	sshrl.u32 @!p0 s20, $0x3  }
0x4f: {  	s23 =	simm.s32 @!p0 $0x80;
	s8 =	sand.u32 $0x1FFFF000, s8;
	s20 =	sadd.s32 @!p0 s2, s20  }
0x50: {  	[tilespmem:s23], [sflag:$0x2] =	stream.linear.gather @!p0 [hbm4b:s20+s21], $0x80, $0x38;
	[tilespmem:$0x10200] =	vst v63  }
0x51: {  	s8 =	sadd.s32 s5, s8;
	_ =	swait.ge [sflag:s0], $0x4000  }
0x52: {  	s23 =	simm.s32 $0x8200;
	s20 =	simm.s32 $0x10;
	[sflag:s0] =	ssyncset.done $0x0  }
0x53: {  	s25 =	sadd.s32 $0x0, s8;
	s21 =	simm.s32 $0x8280;
	[sflag:s0] =	ssyncadd.s32 $0xFFFFC000  }
.LBB2_7:
0x54: {  	[hbm4b:s25+s3] =	stream.linear.scatter [tilespmem:s23], [sflag:$0xB], $0x40, $0x38;
	[tilespmem:$0x10200] =	vst v63  }
0x55: {  	s25 =	smov.u32 s20;
	s23 =	smov.u32 s21;
	p1 =	sne.s32 s20, $0x7F0  }
.Ltmp2:
0x56: {  	s20 =	sadd.s32 $0x10, s20;
	(pc) =	sbr.rel @p1 .LBB2_7-.Ltmp2, $2  }
0x57: {  	_ =	sdelay $0x2  }
0x58: {  	s21 =	sadd.s32 $0x80, s21;
	s25 =	sadd.s32 s25, s8  }
0x59: {  	[hbm4b:s25+s3] =	stream.linear.scatter [tilespmem:s23], [sflag:$0xB], $0x40, $0x38;
	[tilespmem:$0x10200] =	vst v63  }
0x5a: {  	s8 =	sadd.s32 @!p0 s9, s16  }
0x5b: {  	s20 =	simm.s32 @!p0 $0x0;
	s8 =	sshrl.u32 @!p0 s8, $0x3  }
0x5c: {  	s21 =	simm.s32 @!p0 $0x100;
	s30 =	sshll.u32 s18, $0x4;
	s8 =	sadd.s32 @!p0 s2, s8  }
0x5d: {  	[tilespmem:s21], [sflag:$0x3] =	stream.linear.gather @!p0 [hbm4b:s8+s20], $0x80, $0x38;
	[tilespmem:$0x10200] =	vst v63  }
0x5e: {  	s18 =	simm.s32 $0xC200;
	s8 =	sand.u32 $0x1FFFF800, s30;
	_ =	swait.ge [sflag:s7], $0x4000  }
0x5f: {  	s20 =	simm.s32 $0x10;
	s8 =	sadd.s32 s5, s8;
	[sflag:s7] =	ssyncset.done $0x0  }
0x60: {  	s21 =	simm.s32 $0xC280;
	s23 =	sadd.s32 $0x0, s8;
	[sflag:s7] =	ssyncadd.s32 $0xFFFFC000  }
.LBB2_9:
0x61: {  	[hbm4b:s23+s3] =	stream.linear.scatter [tilespmem:s18], [sflag:$0xC], $0x40, $0x38;
	[tilespmem:$0x10200] =	vst v63  }
0x62: {  	s23 =	smov.u32 s20;
	s18 =	smov.u32 s21;
	p1 =	sne.s32 s20, $0x7F0  }
.Ltmp3:
0x63: {  	s20 =	sadd.s32 $0x10, s20;
	(pc) =	sbr.rel @p1 .LBB2_9-.Ltmp3, $2  }
0x64: {  	_ =	sdelay $0x2  }
0x65: {  	s21 =	sadd.s32 $0x80, s21;
	s23 =	sadd.s32 s23, s8  }
0x66: {  	[hbm4b:s23+s3] =	stream.linear.scatter [tilespmem:s18], [sflag:$0xC], $0x40, $0x38;
	[tilespmem:$0x10200] =	vst v63  }
0x67: {  	s8 =	sadd.s32 @!p0 s9, s17  }
0x68: {  	s9 =	simm.s32 @!p0 $0x0;
	s8 =	sshrl.u32 @!p0 s8, $0x3  }
0x69: {  	s18 =	simm.s32 @!p0 $0x180;
	p1 =	sne.s32 @!p0 s6, $0x1A;
	s8 =	sadd.s32 @!p0 s2, s8  }
0x6a: {  	[tilespmem:s18], [sflag:$0x4] =	stream.linear.gather @!p0 [hbm4b:s8+s9], $0x80, $0x38;
	[tilespmem:$0x10200] =	vst v63  }
0x6b: {  	p0 =	por p0, !p1  }
.Ltmp4:
0x6c: {  	_ = 	snop;
	(pc) =	sbr.rel @!p0 .LBB2_2-.Ltmp4, $1  }
0x6d: {  	_ =	sdelay $0x3  }
0x6e: {  	s6 =	simm.s32 $0x9  }
0x6f: {  	_ =	swait.ge [sflag:s6], $0x2000  }
0x70: {  	[sflag:s6] =	ssyncset.done $0x0  }
0x71: {  	s25 =	simm.s32 $0xA;
	[sflag:s6] =	ssyncadd.s32 $0xFFFFE000  }
0x72: {  	_ =	swait.ge [sflag:s25], $0x2000  }
0x73: {  	[sflag:s25] =	ssyncset.done $0x0  }
0x74: {  	s28 =	simm.s32 $0xB;
	[sflag:s25] =	ssyncadd.s32 $0xFFFFE000  }
0x75: {  	_ =	swait.ge [sflag:s28], $0x2000  }
0x76: {  	[sflag:s28] =	ssyncset.done $0x0  }
0x77: {  	s8 =	simm.s32 $0xC;
	[sflag:s28] =	ssyncadd.s32 $0xFFFFE000  }
0x78: {  	_ =	swait.ge [sflag:s8], $0x2000  }
0x79: {  	s9 =	rddreg [dreg:$0x8]  }
0x7a: {  	s30 =	rddreg [dreg:$0x7];
	s9 =	sadd.s32 $0x1, s9  }
0x7b: {  	p0 =	sne.s32 s9, s30  }
.Ltmp5:
0x7c: {  	_ = 	snop;
	(pc) =	sbr.rel @p0 .LBB2_1-.Ltmp5, $3  }
0x7d: {  	_ =	sdelay $0x1  }
0x7e: {  	[sflag:s8] =	ssyncset.done $0x0  }
0x7f: {  	[sflag:s8] =	ssyncadd.s32 $0xFFFFE000  }
0x80: {  	_ =	sfence.sel $0x180000  }
0x81: {  	[bflag:$0x0] =	sbarrier.arrive $0xFFFF  }
0x82: {  	_ =	strace $0x90000047  }
0x83: {  	s0 =	stileid.u32;
	[bflag:$0x2] =	sbarrier.arrive $0xFFFF  }
0x84: {  	p0 =	sne.s32 s0, $0x0;
	s0 =	rddreg [dreg:$0x2]  }
0x85: {  	s0 =	sadd.s32 @!p0 $0x100000, s0  }
0x86: {  	[sflag:s0] =	ssyncadd.tile.s32 @!p0 $0x1;
	_ =	shalt  }
.Lfunc_end2:
_tile_overlayer_lowered:
.L_overlay_start_2:
0x87: {  	(tag) =	ssettag $0x2  }
0x88: {  	s0 =	rddreg [dreg:$0x0];
	s2 =	stileid.u32  }
0x89: {  	s1 =	rddreg [dreg:$0x1];
	p0 =	sne.s32 s2, $0x0  }
0x8a: {  	s3 =	rddreg [dreg:$0x2];
	[bflag:$0x3] =	sbarrier.arrive $0xFFFF;
	s2 =	simm.s32 @!p0 $0x1C0D  }
0x8b: {  	[timem:s3], [sflag:s2] =	dma.local @!p0 [hbm:s0], s1  }
0x8c: {  	s0 =	simm.s32 @!p0 $0xD  }
0x8d: {  	_ =	swait.ge @!p0 [sflag:s0], s1  }
0x8e: {  	s1 =	ssub.s32 @!p0 $0x0, s1;
	[sflag:s0] =	ssyncset.done @!p0 $0x0  }
0x8f: {  	[sflag:s0] =	ssyncadd.s32 @!p0 s1  }
0x90: {  	[bflag:$0x3] =	sbarrier.arrive $0xFFFF  }
0x91: {  	_ =	shalt  }

</sc_bundles>
